<compile_context>
chip_gen: v7x
topology: tpu7x:2x2x1
jax: 0.10.2.dev20260603
libtpu: 0.0.44.dev20260713+nightly
codegen_flags: <defaults>
</compile_context>

<pallas_src>
import jax
import jax.numpy as jnp
from jax import lax
from jax.experimental import pallas as pl
from jax.experimental.pallas import tpu as pltpu
from jax.experimental.pallas import tpu_sc as plsc

NUM_ITEMS = 100000
EMBED = 64
BATCH = 4096
HIST = 200
EPS = 1e-5

N = BATCH * HIST
NC = 2
NS = 16
NW = NC * NS
PER_W = N // NW
K = 512
STEPS = PER_W // K
L = 16

_DNUMS = lax.GatherDimensionNumbers(
    offset_dims=(), collapsed_slice_dims=(0,), start_index_map=(0,))


def _perm(v, idx):
    return lax.gather(v, idx, _DNUMS, (1,),
                      mode=lax.GatherScatterMode.PROMISE_IN_BOUNDS)


def _body(x_hbm, table_hbm, gamma_hbm, beta_hbm, out_hbm, mask_hbm,
          idx0_v, idx1_v, rows0_v, rows1_v, gam_v, bet_v, mask_v,
          sem0, sem1):
    wid = lax.axis_index("s") * NC + lax.axis_index("c")
    wbase = wid * PER_W

    pltpu.sync_copy(gamma_hbm, gam_v)
    pltpu.sync_copy(beta_hbm, bet_v)
    gvecs = [gam_v[pl.ds(L * j, L)] for j in range(EMBED // L)]
    bvecs = [bet_v[pl.ds(L * j, L)] for j in range(EMBED // L)]

    ones = jnp.full((L,), 1, jnp.int32)
    zeros = jnp.full((L,), 0, jnp.int32)
    magic = jnp.full((L,), 0x5F3759DF, jnp.int32)
    lane = lax.iota(jnp.int32, L)
    perms = [jnp.reshape((lane + r) % L, (L, 1)) for r in (8, 4, 2, 1)]

    bufs = ((idx0_v, rows0_v, sem0), (idx1_v, rows1_v, sem1))

    def prefetch(g, idx_v, rows_v, sem):
        pltpu.sync_copy(x_hbm.at[pl.ds(wbase + g * K, K)], idx_v)
        pltpu.async_copy(table_hbm.at[idx_v], rows_v, sem)

    def process(g, idx_v, rows_v, sem):
        base = wbase + g * K
        pltpu.make_async_copy(table_hbm.at[idx_v], rows_v, sem).wait()

        @plsc.parallel_loop(0, K // L, 1, unroll=4)
        def mstep(t):
            iv = idx_v[pl.ds(L * t, L)]
            mask_v[pl.ds(L * t, L)] = jnp.where(iv > 0, ones, zeros)

        @plsc.parallel_loop(0, K, 1, unroll=4)
        def rstep(r):
            vs = [rows_v[r, pl.ds(L * j, L)] for j in range(EMBED // L)]
            s = (vs[0] + vs[1]) + (vs[2] + vs[3])
            q = (vs[0] * vs[0] + vs[1] * vs[1]) + (vs[2] * vs[2] + vs[3] * vs[3])
            for p in perms:
                s = s + _perm(s, p)
                q = q + _perm(q, p)
            mean = s * (1.0 / EMBED)
            var = q * (1.0 / EMBED) - mean * mean
            av = var + EPS
            yi = magic - lax.shift_right_logical(
                lax.bitcast_convert_type(av, jnp.int32), 1)
            y = lax.bitcast_convert_type(yi, jnp.float32)
            y = y * (1.5 - (av * 0.5) * y * y)
            for j in range(EMBED // L):
                rows_v[r, pl.ds(L * j, L)] = (vs[j] - mean) * y * gvecs[j] + bvecs[j]

        pltpu.sync_copy(rows_v, out_hbm.at[pl.ds(base, K)])
        pltpu.sync_copy(mask_v, mask_hbm.at[pl.ds(base, K)])

    prefetch(0, *bufs[0])

    def step(it, carry):
        g0 = it * 2
        prefetch(g0 + 1, *bufs[1])
        process(g0, *bufs[0])

        @pl.when(g0 + 2 < STEPS)
        def _():
            prefetch(g0 + 2, *bufs[0])
        process(g0 + 1, *bufs[1])
        return carry
    lax.fori_loop(0, STEPS // 2, step, 0)


@jax.jit
def _lru_embed(x_flat, table, gamma, beta):
    mesh = plsc.VectorSubcoreMesh(core_axis_name="c", subcore_axis_name="s")
    out_flat, mask_i32 = pl.kernel(
        _body,
        out_type=(
            jax.ShapeDtypeStruct((N, EMBED), jnp.float32),
            jax.ShapeDtypeStruct((N,), jnp.int32),
        ),
        mesh=mesh,
        compiler_params=pltpu.CompilerParams(use_tc_tiling_on_sc=False),
        scratch_types=[
            pltpu.VMEM((K,), jnp.int32),
            pltpu.VMEM((K,), jnp.int32),
            pltpu.VMEM((K, EMBED), jnp.float32),
            pltpu.VMEM((K, EMBED), jnp.float32),
            pltpu.VMEM((EMBED,), jnp.float32),
            pltpu.VMEM((EMBED,), jnp.float32),
            pltpu.VMEM((K,), jnp.int32),
            pltpu.SemaphoreType.DMA,
            pltpu.SemaphoreType.DMA,
        ],
    )(x_flat, table, gamma, beta)
    return out_flat, mask_i32


def kernel(x, table, gamma, beta):
    x_flat = x.reshape(N).astype(jnp.int32)
    out_flat, mask_i32 = _lru_embed(x_flat, table, gamma, beta)
    out = out_flat.reshape(BATCH, HIST, EMBED)
    mask = mask_i32.reshape(BATCH, HIST).astype(jnp.bool_)
    return out, mask

# --- scband reference (transcript-rebuilt; emitter-appended) ---
"""Pipeline reference for scband-lruembedding-9732395892792 (READ-ONLY COPY).

The authoritative reference and input builder live on the scoring server;
editing this copy changes nothing except your own understanding.
"""

import jax, jax.numpy as jnp
import numpy as np

NUM_ITEMS = 100000
EMBED = 64
BATCH = 4096
HIST = 200
EPS = 1e-5

def setup_inputs(seed: int = 0) -> dict:
    key = jax.random.key(seed)
    k1, k2 = jax.random.split(key)
    x = jax.random.randint(k1, (BATCH, HIST), 0, NUM_ITEMS, dtype=jnp.int64) if jax.config.read('jax_enable_x64') else jax.random.randint(k1, (BATCH, HIST), 0, NUM_ITEMS, dtype=jnp.int32)
    table = jax.random.normal(k2, (NUM_ITEMS, EMBED), dtype=jnp.float32) * 0.02
    table = table.at[0].set(0.0)  # padding_idx=0
    gamma = jnp.ones((EMBED,), dtype=jnp.float32)
    beta = jnp.zeros((EMBED,), dtype=jnp.float32)
    return {"x": x, "table": table, "gamma": gamma, "beta": beta}

def reference(x, table, gamma, beta):
    mask = x > 0
    emb = jnp.take(table, x, axis=0)            # nn.Embedding lookup (padding row is zero)
    # dropout is identity in eval/reference mode
    mean = jnp.mean(emb, axis=-1, keepdims=True)
    var = jnp.var(emb, axis=-1, keepdims=True)  # biased variance, matches torch LayerNorm
    normed = (emb - mean) / jnp.sqrt(var + EPS)
    out = normed * gamma + beta
    return out, mask

if __name__ == "__main__":
    import jax
    _d = setup_inputs()
    print(jax.jit(kernel)(*tuple(_d.values())))

</pallas_src>

<mosaic_0001>
#map = affine_map<(d0, d1) -> (0)>
#map1 = affine_map<(d0, d1) -> (0, 0)>
module attributes {stable_mosaic.version = 14 : i64} {
  func.func @_body(%arg0: i32, %arg1: i32, %arg2: memref<819200xi32, #tpu.memory_space<hbm>>, %arg3: memref<100000x64xf32, #tpu.memory_space<hbm>>, %arg4: memref<64xf32, #tpu.memory_space<hbm>>, %arg5: memref<64xf32, #tpu.memory_space<hbm>>, %arg6: memref<819200x64xf32, #tpu.memory_space<hbm>>, %arg7: memref<819200xi32, #tpu.memory_space<hbm>>, %arg8: memref<512xi32, #tpu.memory_space<vmem>>, %arg9: memref<512xi32, #tpu.memory_space<vmem>>, %arg10: memref<512x64xf32, #tpu.memory_space<vmem>>, %arg11: memref<512x64xf32, #tpu.memory_space<vmem>>, %arg12: memref<64xf32, #tpu.memory_space<vmem>>, %arg13: memref<64xf32, #tpu.memory_space<vmem>>, %arg14: memref<512xi32, #tpu.memory_space<vmem>>, %arg15: memref<!tpu.dma_semaphore, #tpu.memory_space<semaphore_mem>>, %arg16: memref<!tpu.dma_semaphore, #tpu.memory_space<semaphore_mem>>) attributes {dimension_semantics = [#tpu.dimension_semantics<core_parallel>, #tpu.dimension_semantics<subcore_parallel>], iteration_bounds = array<i64: 2, 16>, scalar_prefetch = 0 : i64, scratch_operands = 9 : i64, tpu.core_type = #tpu.core_type<sc_vector_subcore>, window_params = [{transform_indices = #map}, {transform_indices = #map1}, {transform_indices = #map}, {transform_indices = #map}, {transform_indices = #map1}, {transform_indices = #map}]} {
    %mul3A = arith.constant 2 : i32
    %mul3A_0 = arith.muli %arg1, %mul3A : i32
    %add3A = arith.addi %mul3A_0, %arg0 : i32
    %mul3A_1 = arith.constant 25600 : i32
    %mul3A_2 = arith.muli %add3A, %mul3A_1 : i32
    "tpu.region"() ({
      %run_scoped3A = tpu.sem_alloc : memref<!tpu.dma_semaphore, #tpu.memory_space<semaphore_mem>>
      tpu.enqueue_dma source(%arg4 : memref<64xf32, #tpu.memory_space<hbm>>) target(%arg12 : memref<64xf32, #tpu.memory_space<vmem>>) target_semaphore(%run_scoped3A : memref<!tpu.dma_semaphore, #tpu.memory_space<semaphore_mem>>)
      tpu.wait_dma2 semaphore(%run_scoped3A : memref<!tpu.dma_semaphore, #tpu.memory_space<semaphore_mem>>) src(%arg4 : memref<64xf32, #tpu.memory_space<hbm>>) dst(%arg12 : memref<64xf32, #tpu.memory_space<vmem>>)
      tpu.yield
    }) : () -> ()
    "tpu.region"() ({
      %run_scoped3A = tpu.sem_alloc : memref<!tpu.dma_semaphore, #tpu.memory_space<semaphore_mem>>
      tpu.enqueue_dma source(%arg5 : memref<64xf32, #tpu.memory_space<hbm>>) target(%arg13 : memref<64xf32, #tpu.memory_space<vmem>>) target_semaphore(%run_scoped3A : memref<!tpu.dma_semaphore, #tpu.memory_space<semaphore_mem>>)
      tpu.wait_dma2 semaphore(%run_scoped3A : memref<!tpu.dma_semaphore, #tpu.memory_space<semaphore_mem>>) src(%arg5 : memref<64xf32, #tpu.memory_space<hbm>>) dst(%arg13 : memref<64xf32, #tpu.memory_space<vmem>>)
      tpu.yield
    }) : () -> ()
    %get3A = arith.constant 0 : index
    %get3A_3 = tpu.vector_load %arg12[%get3A] {strides = array<i32>} : memref<64xf32, #tpu.memory_space<vmem>>, vector<16xf32>,
    %get3A_4 = vector.shape_cast %get3A_3 : vector<16xf32> to vector<16xf32>
    %get3A_5 = arith.constant 16 : index
    %get3A_6 = tpu.vector_load %arg12[%get3A_5] {strides = array<i32>} : memref<64xf32, #tpu.memory_space<vmem>>, vector<16xf32>,
    %get3A_7 = vector.shape_cast %get3A_6 : vector<16xf32> to vector<16xf32>
    %get3A_8 = arith.constant 32 : index
    %get3A_9 = tpu.vector_load %arg12[%get3A_8] {strides = array<i32>} : memref<64xf32, #tpu.memory_space<vmem>>, vector<16xf32>,
    %get3A_10 = vector.shape_cast %get3A_9 : vector<16xf32> to vector<16xf32>
    %get3A_11 = arith.constant 48 : index
    %get3A_12 = tpu.vector_load %arg12[%get3A_11] {strides = array<i32>} : memref<64xf32, #tpu.memory_space<vmem>>, vector<16xf32>,
    %get3A_13 = vector.shape_cast %get3A_12 : vector<16xf32> to vector<16xf32>
    %get3A_14 = arith.constant 0 : index
    %get3A_15 = tpu.vector_load %arg13[%get3A_14] {strides = array<i32>} : memref<64xf32, #tpu.memory_space<vmem>>, vector<16xf32>,
    %get3A_16 = vector.shape_cast %get3A_15 : vector<16xf32> to vector<16xf32>
    %get3A_17 = arith.constant 16 : index
    %get3A_18 = tpu.vector_load %arg13[%get3A_17] {strides = array<i32>} : memref<64xf32, #tpu.memory_space<vmem>>, vector<16xf32>,
    %get3A_19 = vector.shape_cast %get3A_18 : vector<16xf32> to vector<16xf32>
    %get3A_20 = arith.constant 32 : index
    %get3A_21 = tpu.vector_load %arg13[%get3A_20] {strides = array<i32>} : memref<64xf32, #tpu.memory_space<vmem>>, vector<16xf32>,
    %get3A_22 = vector.shape_cast %get3A_21 : vector<16xf32> to vector<16xf32>
    %get3A_23 = arith.constant 48 : index
    %get3A_24 = tpu.vector_load %arg13[%get3A_23] {strides = array<i32>} : memref<64xf32, #tpu.memory_space<vmem>>, vector<16xf32>,
    %get3A_25 = vector.shape_cast %get3A_24 : vector<16xf32> to vector<16xf32>
    %broadcast_in_dim3A = arith.constant 1 : i32
    %broadcast_in_dim3A_26 = vector.broadcast %broadcast_in_dim3A : i32 to vector<16xi32>
    %broadcast_in_dim3A_27 = arith.constant 0 : i32
    %broadcast_in_dim3A_28 = vector.broadcast %broadcast_in_dim3A_27 : i32 to vector<16xi32>
    %broadcast_in_dim3A_29 = arith.constant 1597463007 : i32
    %broadcast_in_dim3A_30 = vector.broadcast %broadcast_in_dim3A_29 : i32 to vector<16xi32>
    %iota3A = tpu.iota {dimensions = array<i32: 0>} : vector<16xi32>
    %add3A_31 = arith.constant 8 : i32
    %add3A_32 = vector.broadcast %add3A_31 : i32 to vector<16xi32>
    %add3A_33 = arith.addi %iota3A, %add3A_32 : vector<16xi32>
    %jit3A = arith.constant 16 : i32
    %eq3A = arith.constant 0 : i32
    %eq3A_34 = arith.cmpi eq, %jit3A, %eq3A : i32
    %jit3A_35 = arith.constant 1 : i32
    %select_n3A = arith.select %eq3A_34, %jit3A_35, %jit3A : i32
    %rem3A = vector.broadcast %select_n3A : i32 to vector<16xi32>
    %rem3A_36 = arith.remsi %add3A_33, %rem3A : vector<16xi32>
    %ne3A = arith.constant 0 : i32
    %ne3A_37 = vector.broadcast %ne3A : i32 to vector<16xi32>
    %ne3A_38 = arith.cmpi ne, %rem3A_36, %ne3A_37 : vector<16xi32>
    %lt3A = arith.constant 0 : i32
    %lt3A_39 = vector.broadcast %lt3A : i32 to vector<16xi32>
    %lt3A_40 = arith.cmpi slt, %rem3A_36, %lt3A_39 : vector<16xi32>
    %lt3A_41 = arith.constant 0 : i32
    %lt3A_42 = arith.cmpi slt, %select_n3A, %lt3A_41 : i32
    %ne3A_43 = vector.broadcast %lt3A_42 : i1 to vector<16xi1>
    %ne3A_44 = vector.broadcast %ne3A_43 : vector<16xi1> to vector<16xi1>
    %ne3A_45 = arith.xori %lt3A_40, %ne3A_44 : vector<16xi1>
    %and3A = arith.andi %ne3A_45, %ne3A_38 : vector<16xi1>
    %add3A_46 = vector.broadcast %select_n3A : i32 to vector<16xi32>
    %add3A_47 = arith.addi %rem3A_36, %add3A_46 : vector<16xi32>
    %select_n3A_48 = arith.select %and3A, %add3A_47, %rem3A_36 : vector<16xi1>, vector<16xi32>
    %reshape3A = vector.shape_cast %select_n3A_48 : vector<16xi32> to vector<16x1xi32>
    %add3A_49 = arith.constant 4 : i32
    %add3A_50 = vector.broadcast %add3A_49 : i32 to vector<16xi32>
    %add3A_51 = arith.addi %iota3A, %add3A_50 : vector<16xi32>
    %jit3A_52 = arith.constant 16 : i32
    %eq3A_53 = arith.constant 0 : i32
    %eq3A_54 = arith.cmpi eq, %jit3A_52, %eq3A_53 : i32
    %jit3A_55 = arith.constant 1 : i32
    %select_n3A_56 = arith.select %eq3A_54, %jit3A_55, %jit3A_52 : i32
    %rem3A_57 = vector.broadcast %select_n3A_56 : i32 to vector<16xi32>
    %rem3A_58 = arith.remsi %add3A_51, %rem3A_57 : vector<16xi32>
    %ne3A_59 = arith.constant 0 : i32
    %ne3A_60 = vector.broadcast %ne3A_59 : i32 to vector<16xi32>
    %ne3A_61 = arith.cmpi ne, %rem3A_58, %ne3A_60 : vector<16xi32>
    %lt3A_62 = arith.constant 0 : i32
    %lt3A_63 = vector.broadcast %lt3A_62 : i32 to vector<16xi32>
    %lt3A_64 = arith.cmpi slt, %rem3A_58, %lt3A_63 : vector<16xi32>
    %lt3A_65 = arith.constant 0 : i32
    %lt3A_66 = arith.cmpi slt, %select_n3A_56, %lt3A_65 : i32
    %ne3A_67 = vector.broadcast %lt3A_66 : i1 to vector<16xi1>
    %ne3A_68 = vector.broadcast %ne3A_67 : vector<16xi1> to vector<16xi1>
    %ne3A_69 = arith.xori %lt3A_64, %ne3A_68 : vector<16xi1>
    %and3A_70 = arith.andi %ne3A_69, %ne3A_61 : vector<16xi1>
    %add3A_71 = vector.broadcast %select_n3A_56 : i32 to vector<16xi32>
    %add3A_72 = arith.addi %rem3A_58, %add3A_71 : vector<16xi32>
    %select_n3A_73 = arith.select %and3A_70, %add3A_72, %rem3A_58 : vector<16xi1>, vector<16xi32>
    %reshape3A_74 = vector.shape_cast %select_n3A_73 : vector<16xi32> to vector<16x1xi32>
    %add3A_75 = arith.constant 2 : i32
    %add3A_76 = vector.broadcast %add3A_75 : i32 to vector<16xi32>
    %add3A_77 = arith.addi %iota3A, %add3A_76 : vector<16xi32>
    %jit3A_78 = arith.constant 16 : i32
    %eq3A_79 = arith.constant 0 : i32
    %eq3A_80 = arith.cmpi eq, %jit3A_78, %eq3A_79 : i32
    %jit3A_81 = arith.constant 1 : i32
    %select_n3A_82 = arith.select %eq3A_80, %jit3A_81, %jit3A_78 : i32
    %rem3A_83 = vector.broadcast %select_n3A_82 : i32 to vector<16xi32>
    %rem3A_84 = arith.remsi %add3A_77, %rem3A_83 : vector<16xi32>
    %ne3A_85 = arith.constant 0 : i32
    %ne3A_86 = vector.broadcast %ne3A_85 : i32 to vector<16xi32>
    %ne3A_87 = arith.cmpi ne, %rem3A_84, %ne3A_86 : vector<16xi32>
    %lt3A_88 = arith.constant 0 : i32
    %lt3A_89 = vector.broadcast %lt3A_88 : i32 to vector<16xi32>
    %lt3A_90 = arith.cmpi slt, %rem3A_84, %lt3A_89 : vector<16xi32>
    %lt3A_91 = arith.constant 0 : i32
    %lt3A_92 = arith.cmpi slt, %select_n3A_82, %lt3A_91 : i32
    %ne3A_93 = vector.broadcast %lt3A_92 : i1 to vector<16xi1>
    %ne3A_94 = vector.broadcast %ne3A_93 : vector<16xi1> to vector<16xi1>
    %ne3A_95 = arith.xori %lt3A_90, %ne3A_94 : vector<16xi1>
    %and3A_96 = arith.andi %ne3A_95, %ne3A_87 : vector<16xi1>
    %add3A_97 = vector.broadcast %select_n3A_82 : i32 to vector<16xi32>
    %add3A_98 = arith.addi %rem3A_84, %add3A_97 : vector<16xi32>
    %select_n3A_99 = arith.select %and3A_96, %add3A_98, %rem3A_84 : vector<16xi1>, vector<16xi32>
    %reshape3A_100 = vector.shape_cast %select_n3A_99 : vector<16xi32> to vector<16x1xi32>
    %add3A_101 = arith.constant 1 : i32
    %add3A_102 = vector.broadcast %add3A_101 : i32 to vector<16xi32>
    %add3A_103 = arith.addi %iota3A, %add3A_102 : vector<16xi32>
    %jit3A_104 = arith.constant 16 : i32
    %eq3A_105 = arith.constant 0 : i32
    %eq3A_106 = arith.cmpi eq, %jit3A_104, %eq3A_105 : i32
    %jit3A_107 = arith.constant 1 : i32
    %select_n3A_108 = arith.select %eq3A_106, %jit3A_107, %jit3A_104 : i32
    %rem3A_109 = vector.broadcast %select_n3A_108 : i32 to vector<16xi32>
    %rem3A_110 = arith.remsi %add3A_103, %rem3A_109 : vector<16xi32>
    %ne3A_111 = arith.constant 0 : i32
    %ne3A_112 = vector.broadcast %ne3A_111 : i32 to vector<16xi32>
    %ne3A_113 = arith.cmpi ne, %rem3A_110, %ne3A_112 : vector<16xi32>
    %lt3A_114 = arith.constant 0 : i32
    %lt3A_115 = vector.broadcast %lt3A_114 : i32 to vector<16xi32>
    %lt3A_116 = arith.cmpi slt, %rem3A_110, %lt3A_115 : vector<16xi32>
    %lt3A_117 = arith.constant 0 : i32
    %lt3A_118 = arith.cmpi slt, %select_n3A_108, %lt3A_117 : i32
    %ne3A_119 = vector.broadcast %lt3A_118 : i1 to vector<16xi1>
    %ne3A_120 = vector.broadcast %ne3A_119 : vector<16xi1> to vector<16xi1>
    %ne3A_121 = arith.xori %lt3A_116, %ne3A_120 : vector<16xi1>
    %and3A_122 = arith.andi %ne3A_121, %ne3A_113 : vector<16xi1>
    %add3A_123 = vector.broadcast %select_n3A_108 : i32 to vector<16xi32>
    %add3A_124 = arith.addi %rem3A_110, %add3A_123 : vector<16xi32>
    %select_n3A_125 = arith.select %and3A_122, %add3A_124, %rem3A_110 : vector<16xi1>, vector<16xi32>
    %reshape3A_126 = vector.shape_cast %select_n3A_125 : vector<16xi32> to vector<16x1xi32>
    %add3A_127 = arith.constant 0 : i32
    %add3A_128 = arith.addi %mul3A_2, %add3A_127 : i32
    "tpu.region"() ({
      %run_scoped3A = tpu.sem_alloc : memref<!tpu.dma_semaphore, #tpu.memory_space<semaphore_mem>>
      %dma_start3A_136 = tpu.memref_slice %arg2[%add3A_128] : memref<819200xi32, #tpu.memory_space<hbm>> -> memref<512xi32, #tpu.memory_space<hbm>>
      %dma_start3A_137 = tpu.memref_slice %arg2[%add3A_128] : memref<819200xi32, #tpu.memory_space<hbm>> -> memref<512xi32, #tpu.memory_space<hbm>>
      tpu.enqueue_dma source(%dma_start3A_137 : memref<512xi32, #tpu.memory_space<hbm>>) target(%arg8 : memref<512xi32, #tpu.memory_space<vmem>>) target_semaphore(%run_scoped3A : memref<!tpu.dma_semaphore, #tpu.memory_space<semaphore_mem>>)
      %dma_wait3A = tpu.memref_slice %arg2[%add3A_128] : memref<819200xi32, #tpu.memory_space<hbm>> -> memref<512xi32, #tpu.memory_space<hbm>>
      %dma_wait3A_138 = tpu.memref_slice %arg2[%add3A_128] : memref<819200xi32, #tpu.memory_space<hbm>> -> memref<512xi32, #tpu.memory_space<hbm>>
      tpu.wait_dma2 semaphore(%run_scoped3A : memref<!tpu.dma_semaphore, #tpu.memory_space<semaphore_mem>>) src(%dma_wait3A_138 : memref<512xi32, #tpu.memory_space<hbm>>) dst(%arg8 : memref<512xi32, #tpu.memory_space<vmem>>)
      tpu.yield
    }) : () -> ()
    %dma_start3A = arith.constant 0 : i32
    %dma_start3A_129 = arith.constant 0 : i32
    %dma_start3A_130 = tpu.memref_slice %arg3[%dma_start3A, %dma_start3A_129] : memref<100000x64xf32, #tpu.memory_space<hbm>> -> memref<100000x64xf32, #tpu.memory_space<hbm>>
    tpu.enqueue_indirect_dma source(%dma_start3A_130 : memref<100000x64xf32, #tpu.memory_space<hbm>>) target(%arg10 : memref<512x64xf32, #tpu.memory_space<vmem>>) offsets(%arg8 : memref<512xi32, #tpu.memory_space<vmem>>) semaphore(%arg15 : memref<!tpu.dma_semaphore, #tpu.memory_space<semaphore_mem>>)
    %scan3A = arith.constant 0 : i32
    %scan3A_131 = arith.constant 0 : i32
    %scan3A_132 = arith.constant 25 : i32
    %scan3A_133 = arith.addi %scan3A_131, %scan3A_132 : i32
    %scan3A_134 = arith.constant 1 : i32
    scf.for %scan3A_136 = %scan3A_131 to %scan3A_133 step %scan3A_134  : i32 {
      %mul3A_137 = arith.constant 2 : i32
      %mul3A_138 = arith.muli %scan3A_136, %mul3A_137 : i32
      %add3A_139 = arith.constant 1 : i32
      %add3A_140 = arith.addi %mul3A_138, %add3A_139 : i32
      %mul3A_141 = arith.constant 512 : i32
      %mul3A_142 = arith.muli %add3A_140, %mul3A_141 : i32
      %add3A_143 = arith.addi %mul3A_2, %mul3A_142 : i32
      "tpu.region"() ({
        %run_scoped3A = tpu.sem_alloc : memref<!tpu.dma_semaphore, #tpu.memory_space<semaphore_mem>>
        %dma_start3A_176 = tpu.memref_slice %arg2[%add3A_143] : memref<819200xi32, #tpu.memory_space<hbm>> -> memref<512xi32, #tpu.memory_space<hbm>>
        %dma_start3A_177 = tpu.memref_slice %arg2[%add3A_143] : memref<819200xi32, #tpu.memory_space<hbm>> -> memref<512xi32, #tpu.memory_space<hbm>>
        tpu.enqueue_dma source(%dma_start3A_177 : memref<512xi32, #tpu.memory_space<hbm>>) target(%arg9 : memref<512xi32, #tpu.memory_space<vmem>>) target_semaphore(%run_scoped3A : memref<!tpu.dma_semaphore, #tpu.memory_space<semaphore_mem>>)
        %dma_wait3A_178 = tpu.memref_slice %arg2[%add3A_143] : memref<819200xi32, #tpu.memory_space<hbm>> -> memref<512xi32, #tpu.memory_space<hbm>>
        %dma_wait3A_179 = tpu.memref_slice %arg2[%add3A_143] : memref<819200xi32, #tpu.memory_space<hbm>> -> memref<512xi32, #tpu.memory_space<hbm>>
        tpu.wait_dma2 semaphore(%run_scoped3A : memref<!tpu.dma_semaphore, #tpu.memory_space<semaphore_mem>>) src(%dma_wait3A_179 : memref<512xi32, #tpu.memory_space<hbm>>) dst(%arg9 : memref<512xi32, #tpu.memory_space<vmem>>)
        tpu.yield
      }) : () -> ()
      %dma_start3A_144 = arith.constant 0 : i32
      %dma_start3A_145 = arith.constant 0 : i32
      %dma_start3A_146 = tpu.memref_slice %arg3[%dma_start3A_144, %dma_start3A_145] : memref<100000x64xf32, #tpu.memory_space<hbm>> -> memref<100000x64xf32, #tpu.memory_space<hbm>>
      tpu.enqueue_indirect_dma source(%dma_start3A_146 : memref<100000x64xf32, #tpu.memory_space<hbm>>) target(%arg11 : memref<512x64xf32, #tpu.memory_space<vmem>>) offsets(%arg9 : memref<512xi32, #tpu.memory_space<vmem>>) semaphore(%arg16 : memref<!tpu.dma_semaphore, #tpu.memory_space<semaphore_mem>>)
      %mul3A_147 = arith.constant 512 : i32
      %mul3A_148 = arith.muli %mul3A_138, %mul3A_147 : i32
      %add3A_149 = arith.addi %mul3A_2, %mul3A_148 : i32
      %dma_wait3A = arith.constant 0 : i32
      %dma_wait3A_150 = arith.constant 0 : i32
      %dma_wait3A_151 = tpu.memref_slice %arg3[%dma_wait3A, %dma_wait3A_150] : memref<100000x64xf32, #tpu.memory_space<hbm>> -> memref<100000x64xf32, #tpu.memory_space<hbm>>
      tpu.wait_indirect_dma semaphore(%arg15 : memref<!tpu.dma_semaphore, #tpu.memory_space<semaphore_mem>>) src(%dma_wait3A_151 : memref<100000x64xf32, #tpu.memory_space<hbm>>) dst(%arg10 : memref<512x64xf32, #tpu.memory_space<vmem>>)
      %parallel_loop3A = arith.constant 0 : i32
      %parallel_loop3A_152 = arith.constant 32 : i32
      %parallel_loop3A_153 = arith.constant 1 : i32
      scf.for %parallel_loop3A_176 = %parallel_loop3A to %parallel_loop3A_152 step %parallel_loop3A_153  : i32 {
        %parallel_loop3A_177 = arith.constant 16 : i32
        %parallel_loop3A_178 = arith.muli %parallel_loop3A_177, %parallel_loop3A_176 : i32
        %parallel_loop3A_179 = arith.index_cast %parallel_loop3A_178 : i32 to index
        %parallel_loop3A_180 = tpu.vector_load %arg8[%parallel_loop3A_179] {strides = array<i32>} : memref<512xi32, #tpu.memory_space<vmem>>, vector<16xi32>,
        %parallel_loop3A_181 = vector.shape_cast %parallel_loop3A_180 : vector<16xi32> to vector<16xi32>
        %parallel_loop3A_182 = arith.constant 0 : i32
        %parallel_loop3A_183 = vector.broadcast %parallel_loop3A_182 : i32 to vector<16xi32>
        %parallel_loop3A_184 = arith.cmpi sgt, %parallel_loop3A_181, %parallel_loop3A_183 : vector<16xi32>
        %parallel_loop3A_185 = arith.select %parallel_loop3A_184, %broadcast_in_dim3A_26, %broadcast_in_dim3A_28 : vector<16xi1>, vector<16xi32>
        %parallel_loop3A_186 = arith.constant 16 : i32
        %parallel_loop3A_187 = arith.muli %parallel_loop3A_186, %parallel_loop3A_176 : i32
        %parallel_loop3A_188 = arith.index_cast %parallel_loop3A_187 : i32 to index
        %parallel_loop3A_189 = tpu.vector_load %arg14[%parallel_loop3A_188] {strides = array<i32>} : memref<512xi32, #tpu.memory_space<vmem>>, vector<16xi32>,
        %parallel_loop3A_190 = vector.shape_cast %parallel_loop3A_189 : vector<16xi32> to vector<16xi32>
        %parallel_loop3A_191 = vector.shape_cast %parallel_loop3A_185 : vector<16xi32> to vector<16xi32>
        tpu.vector_store %arg14[%parallel_loop3A_188], %parallel_loop3A_191 {strides = array<i32>} : memref<512xi32, #tpu.memory_space<vmem>>, vector<16xi32>,
      } {sc.loop_unroll_factor = 4 : i64, sc.parallel_access}
      %parallel_loop3A_154 = arith.constant 0 : i32
      %parallel_loop3A_155 = arith.constant 512 : i32
      %parallel_loop3A_156 = arith.constant 1 : i32
      scf.for %parallel_loop3A_176 = %parallel_loop3A_154 to %parallel_loop3A_155 step %parallel_loop3A_156  : i32 {
        %parallel_loop3A_177 = arith.index_cast %parallel_loop3A_176 : i32 to index
        %parallel_loop3A_178 = arith.constant 0 : index
        %parallel_loop3A_179 = tpu.vector_load %arg10[%parallel_loop3A_177, %parallel_loop3A_178] {strides = array<i32>} : memref<512x64xf32, #tpu.memory_space<vmem>>, vector<1x16xf32>,
        %parallel_loop3A_180 = vector.shape_cast %parallel_loop3A_179 : vector<1x16xf32> to vector<16xf32>
        %parallel_loop3A_181 = arith.index_cast %parallel_loop3A_176 : i32 to index
        %parallel_loop3A_182 = arith.constant 16 : index
        %parallel_loop3A_183 = tpu.vector_load %arg10[%parallel_loop3A_181, %parallel_loop3A_182] {strides = array<i32>} : memref<512x64xf32, #tpu.memory_space<vmem>>, vector<1x16xf32>,
        %parallel_loop3A_184 = vector.shape_cast %parallel_loop3A_183 : vector<1x16xf32> to vector<16xf32>
        %parallel_loop3A_185 = arith.index_cast %parallel_loop3A_176 : i32 to index
        %parallel_loop3A_186 = arith.constant 32 : index
        %parallel_loop3A_187 = tpu.vector_load %arg10[%parallel_loop3A_185, %parallel_loop3A_186] {strides = array<i32>} : memref<512x64xf32, #tpu.memory_space<vmem>>, vector<1x16xf32>,
        %parallel_loop3A_188 = vector.shape_cast %parallel_loop3A_187 : vector<1x16xf32> to vector<16xf32>
        %parallel_loop3A_189 = arith.index_cast %parallel_loop3A_176 : i32 to index
        %parallel_loop3A_190 = arith.constant 48 : index
        %parallel_loop3A_191 = tpu.vector_load %arg10[%parallel_loop3A_189, %parallel_loop3A_190] {strides = array<i32>} : memref<512x64xf32, #tpu.memory_space<vmem>>, vector<1x16xf32>,
        %parallel_loop3A_192 = vector.shape_cast %parallel_loop3A_191 : vector<1x16xf32> to vector<16xf32>
        %parallel_loop3A_193 = arith.addf %parallel_loop3A_180, %parallel_loop3A_184 : vector<16xf32>
        %parallel_loop3A_194 = arith.addf %parallel_loop3A_188, %parallel_loop3A_192 : vector<16xf32>
        %parallel_loop3A_195 = arith.addf %parallel_loop3A_193, %parallel_loop3A_194 : vector<16xf32>
        %parallel_loop3A_196 = arith.mulf %parallel_loop3A_180, %parallel_loop3A_180 : vector<16xf32>
        %parallel_loop3A_197 = arith.mulf %parallel_loop3A_184, %parallel_loop3A_184 : vector<16xf32>
        %parallel_loop3A_198 = arith.addf %parallel_loop3A_196, %parallel_loop3A_197 : vector<16xf32>
        %parallel_loop3A_199 = arith.mulf %parallel_loop3A_188, %parallel_loop3A_188 : vector<16xf32>
        %parallel_loop3A_200 = arith.mulf %parallel_loop3A_192, %parallel_loop3A_192 : vector<16xf32>
        %parallel_loop3A_201 = arith.addf %parallel_loop3A_199, %parallel_loop3A_200 : vector<16xf32>
        %parallel_loop3A_202 = arith.addf %parallel_loop3A_198, %parallel_loop3A_201 : vector<16xf32>
        %parallel_loop3A_203 = vector.shape_cast %reshape3A : vector<16x1xi32> to vector<16xi32>
        %parallel_loop3A_204 = tpu.dynamic_gather %parallel_loop3A_195[%parallel_loop3A_203] in [0] : vector<16xf32>, vector<16xi32> -> vector<16xf32>
        %parallel_loop3A_205 = arith.addf %parallel_loop3A_195, %parallel_loop3A_204 : vector<16xf32>
        %parallel_loop3A_206 = vector.shape_cast %reshape3A : vector<16x1xi32> to vector<16xi32>
        %parallel_loop3A_207 = tpu.dynamic_gather %parallel_loop3A_202[%parallel_loop3A_206] in [0] : vector<16xf32>, vector<16xi32> -> vector<16xf32>
        %parallel_loop3A_208 = arith.addf %parallel_loop3A_202, %parallel_loop3A_207 : vector<16xf32>
        %parallel_loop3A_209 = vector.shape_cast %reshape3A_74 : vector<16x1xi32> to vector<16xi32>
        %parallel_loop3A_210 = tpu.dynamic_gather %parallel_loop3A_205[%parallel_loop3A_209] in [0] : vector<16xf32>, vector<16xi32> -> vector<16xf32>
        %parallel_loop3A_211 = arith.addf %parallel_loop3A_205, %parallel_loop3A_210 : vector<16xf32>
        %parallel_loop3A_212 = vector.shape_cast %reshape3A_74 : vector<16x1xi32> to vector<16xi32>
        %parallel_loop3A_213 = tpu.dynamic_gather %parallel_loop3A_208[%parallel_loop3A_212] in [0] : vector<16xf32>, vector<16xi32> -> vector<16xf32>
        %parallel_loop3A_214 = arith.addf %parallel_loop3A_208, %parallel_loop3A_213 : vector<16xf32>
        %parallel_loop3A_215 = vector.shape_cast %reshape3A_100 : vector<16x1xi32> to vector<16xi32>
        %parallel_loop3A_216 = tpu.dynamic_gather %parallel_loop3A_211[%parallel_loop3A_215] in [0] : vector<16xf32>, vector<16xi32> -> vector<16xf32>
        %parallel_loop3A_217 = arith.addf %parallel_loop3A_211, %parallel_loop3A_216 : vector<16xf32>
        %parallel_loop3A_218 = vector.shape_cast %reshape3A_100 : vector<16x1xi32> to vector<16xi32>
        %parallel_loop3A_219 = tpu.dynamic_gather %parallel_loop3A_214[%parallel_loop3A_218] in [0] : vector<16xf32>, vector<16xi32> -> vector<16xf32>
        %parallel_loop3A_220 = arith.addf %parallel_loop3A_214, %parallel_loop3A_219 : vector<16xf32>
        %parallel_loop3A_221 = vector.shape_cast %reshape3A_126 : vector<16x1xi32> to vector<16xi32>
        %parallel_loop3A_222 = tpu.dynamic_gather %parallel_loop3A_217[%parallel_loop3A_221] in [0] : vector<16xf32>, vector<16xi32> -> vector<16xf32>
        %parallel_loop3A_223 = arith.addf %parallel_loop3A_217, %parallel_loop3A_222 : vector<16xf32>
        %parallel_loop3A_224 = vector.shape_cast %reshape3A_126 : vector<16x1xi32> to vector<16xi32>
        %parallel_loop3A_225 = tpu.dynamic_gather %parallel_loop3A_220[%parallel_loop3A_224] in [0] : vector<16xf32>, vector<16xi32> -> vector<16xf32>
        %parallel_loop3A_226 = arith.addf %parallel_loop3A_220, %parallel_loop3A_225 : vector<16xf32>
        %parallel_loop3A_227 = arith.constant 1.562500e-02 : f32
        %parallel_loop3A_228 = vector.broadcast %parallel_loop3A_227 : f32 to vector<16xf32>
        %parallel_loop3A_229 = arith.mulf %parallel_loop3A_223, %parallel_loop3A_228 : vector<16xf32>
        %parallel_loop3A_230 = arith.constant 1.562500e-02 : f32
        %parallel_loop3A_231 = vector.broadcast %parallel_loop3A_230 : f32 to vector<16xf32>
        %parallel_loop3A_232 = arith.mulf %parallel_loop3A_226, %parallel_loop3A_231 : vector<16xf32>
        %parallel_loop3A_233 = arith.mulf %parallel_loop3A_229, %parallel_loop3A_229 : vector<16xf32>
        %parallel_loop3A_234 = arith.subf %parallel_loop3A_232, %parallel_loop3A_233 : vector<16xf32>
        %parallel_loop3A_235 = arith.constant 9.99999974E-6 : f32
        %parallel_loop3A_236 = vector.broadcast %parallel_loop3A_235 : f32 to vector<16xf32>
        %parallel_loop3A_237 = arith.addf %parallel_loop3A_234, %parallel_loop3A_236 : vector<16xf32>
        %parallel_loop3A_238 = tpu.bitcast %parallel_loop3A_237 : vector<16xf32> -> vector<16xi32>
        %parallel_loop3A_239 = arith.constant 1 : i32
        %parallel_loop3A_240 = vector.broadcast %parallel_loop3A_239 : i32 to vector<16xi32>
        %parallel_loop3A_241 = arith.shrui %parallel_loop3A_238, %parallel_loop3A_240 : vector<16xi32>
        %parallel_loop3A_242 = arith.subi %broadcast_in_dim3A_30, %parallel_loop3A_241 : vector<16xi32>
        %parallel_loop3A_243 = tpu.bitcast %parallel_loop3A_242 : vector<16xi32> -> vector<16xf32>
        %parallel_loop3A_244 = arith.constant 5.000000e-01 : f32
        %parallel_loop3A_245 = vector.broadcast %parallel_loop3A_244 : f32 to vector<16xf32>
        %parallel_loop3A_246 = arith.mulf %parallel_loop3A_237, %parallel_loop3A_245 : vector<16xf32>
        %parallel_loop3A_247 = arith.mulf %parallel_loop3A_246, %parallel_loop3A_243 : vector<16xf32>
        %parallel_loop3A_248 = arith.mulf %parallel_loop3A_247, %parallel_loop3A_243 : vector<16xf32>
        %parallel_loop3A_249 = arith.constant 1.500000e+00 : f32
        %parallel_loop3A_250 = vector.broadcast %parallel_loop3A_249 : f32 to vector<16xf32>
        %parallel_loop3A_251 = arith.subf %parallel_loop3A_250, %parallel_loop3A_248 : vector<16xf32>
        %parallel_loop3A_252 = arith.mulf %parallel_loop3A_243, %parallel_loop3A_251 : vector<16xf32>
        %parallel_loop3A_253 = arith.subf %parallel_loop3A_180, %parallel_loop3A_229 : vector<16xf32>
        %parallel_loop3A_254 = arith.mulf %parallel_loop3A_253, %parallel_loop3A_252 : vector<16xf32>
        %parallel_loop3A_255 = arith.mulf %parallel_loop3A_254, %get3A_4 : vector<16xf32>
        %parallel_loop3A_256 = arith.addf %parallel_loop3A_255, %get3A_16 : vector<16xf32>
        %parallel_loop3A_257 = arith.index_cast %parallel_loop3A_176 : i32 to index
        %parallel_loop3A_258 = arith.constant 0 : index
        %parallel_loop3A_259 = tpu.vector_load %arg10[%parallel_loop3A_257, %parallel_loop3A_258] {strides = array<i32>} : memref<512x64xf32, #tpu.memory_space<vmem>>, vector<1x16xf32>,
        %parallel_loop3A_260 = vector.shape_cast %parallel_loop3A_259 : vector<1x16xf32> to vector<16xf32>
        %parallel_loop3A_261 = vector.shape_cast %parallel_loop3A_256 : vector<16xf32> to vector<1x16xf32>
        tpu.vector_store %arg10[%parallel_loop3A_257, %parallel_loop3A_258], %parallel_loop3A_261 {strides = array<i32>} : memref<512x64xf32, #tpu.memory_space<vmem>>, vector<1x16xf32>,
        %parallel_loop3A_262 = arith.subf %parallel_loop3A_184, %parallel_loop3A_229 : vector<16xf32>
        %parallel_loop3A_263 = arith.mulf %parallel_loop3A_262, %parallel_loop3A_252 : vector<16xf32>
        %parallel_loop3A_264 = arith.mulf %parallel_loop3A_263, %get3A_7 : vector<16xf32>
        %parallel_loop3A_265 = arith.addf %parallel_loop3A_264, %get3A_19 : vector<16xf32>
        %parallel_loop3A_266 = arith.index_cast %parallel_loop3A_176 : i32 to index
        %parallel_loop3A_267 = arith.constant 16 : index
        %parallel_loop3A_268 = tpu.vector_load %arg10[%parallel_loop3A_266, %parallel_loop3A_267] {strides = array<i32>} : memref<512x64xf32, #tpu.memory_space<vmem>>, vector<1x16xf32>,
        %parallel_loop3A_269 = vector.shape_cast %parallel_loop3A_268 : vector<1x16xf32> to vector<16xf32>
        %parallel_loop3A_270 = vector.shape_cast %parallel_loop3A_265 : vector<16xf32> to vector<1x16xf32>
        tpu.vector_store %arg10[%parallel_loop3A_266, %parallel_loop3A_267], %parallel_loop3A_270 {strides = array<i32>} : memref<512x64xf32, #tpu.memory_space<vmem>>, vector<1x16xf32>,
        %parallel_loop3A_271 = arith.subf %parallel_loop3A_188, %parallel_loop3A_229 : vector<16xf32>
        %parallel_loop3A_272 = arith.mulf %parallel_loop3A_271, %parallel_loop3A_252 : vector<16xf32>
        %parallel_loop3A_273 = arith.mulf %parallel_loop3A_272, %get3A_10 : vector<16xf32>
        %parallel_loop3A_274 = arith.addf %parallel_loop3A_273, %get3A_22 : vector<16xf32>
        %parallel_loop3A_275 = arith.index_cast %parallel_loop3A_176 : i32 to index
        %parallel_loop3A_276 = arith.constant 32 : index
        %parallel_loop3A_277 = tpu.vector_load %arg10[%parallel_loop3A_275, %parallel_loop3A_276] {strides = array<i32>} : memref<512x64xf32, #tpu.memory_space<vmem>>, vector<1x16xf32>,
        %parallel_loop3A_278 = vector.shape_cast %parallel_loop3A_277 : vector<1x16xf32> to vector<16xf32>
        %parallel_loop3A_279 = vector.shape_cast %parallel_loop3A_274 : vector<16xf32> to vector<1x16xf32>
        tpu.vector_store %arg10[%parallel_loop3A_275, %parallel_loop3A_276], %parallel_loop3A_279 {strides = array<i32>} : memref<512x64xf32, #tpu.memory_space<vmem>>, vector<1x16xf32>,
        %parallel_loop3A_280 = arith.subf %parallel_loop3A_192, %parallel_loop3A_229 : vector<16xf32>
        %parallel_loop3A_281 = arith.mulf %parallel_loop3A_280, %parallel_loop3A_252 : vector<16xf32>
        %parallel_loop3A_282 = arith.mulf %parallel_loop3A_281, %get3A_13 : vector<16xf32>
        %parallel_loop3A_283 = arith.addf %parallel_loop3A_282, %get3A_25 : vector<16xf32>
        %parallel_loop3A_284 = arith.index_cast %parallel_loop3A_176 : i32 to index
        %parallel_loop3A_285 = arith.constant 48 : index
        %parallel_loop3A_286 = tpu.vector_load %arg10[%parallel_loop3A_284, %parallel_loop3A_285] {strides = array<i32>} : memref<512x64xf32, #tpu.memory_space<vmem>>, vector<1x16xf32>,
        %parallel_loop3A_287 = vector.shape_cast %parallel_loop3A_286 : vector<1x16xf32> to vector<16xf32>
        %parallel_loop3A_288 = vector.shape_cast %parallel_loop3A_283 : vector<16xf32> to vector<1x16xf32>
        tpu.vector_store %arg10[%parallel_loop3A_284, %parallel_loop3A_285], %parallel_loop3A_288 {strides = array<i32>} : memref<512x64xf32, #tpu.memory_space<vmem>>, vector<1x16xf32>,
      } {sc.loop_unroll_factor = 4 : i64, sc.parallel_access}
      "tpu.region"() ({
        %run_scoped3A = tpu.sem_alloc : memref<!tpu.dma_semaphore, #tpu.memory_space<semaphore_mem>>
        %dma_start3A_176 = arith.constant 0 : i32
        %dma_start3A_177 = tpu.memref_slice %arg6[%add3A_149, %dma_start3A_176] : memref<819200x64xf32, #tpu.memory_space<hbm>> -> memref<512x64xf32, #tpu.memory_space<hbm>>
        %dma_start3A_178 = arith.constant 0 : i32
        %dma_start3A_179 = tpu.memref_slice %arg6[%add3A_149, %dma_start3A_178] : memref<819200x64xf32, #tpu.memory_space<hbm>> -> memref<512x64xf32, #tpu.memory_space<hbm>>
        tpu.enqueue_dma source(%arg10 : memref<512x64xf32, #tpu.memory_space<vmem>>) target(%dma_start3A_179 : memref<512x64xf32, #tpu.memory_space<hbm>>) target_semaphore(%run_scoped3A : memref<!tpu.dma_semaphore, #tpu.memory_space<semaphore_mem>>)
        %dma_wait3A_180 = arith.constant 0 : i32
        %dma_wait3A_181 = tpu.memref_slice %arg6[%add3A_149, %dma_wait3A_180] : memref<819200x64xf32, #tpu.memory_space<hbm>> -> memref<512x64xf32, #tpu.memory_space<hbm>>
        %dma_wait3A_182 = arith.constant 0 : i32
        %dma_wait3A_183 = tpu.memref_slice %arg6[%add3A_149, %dma_wait3A_182] : memref<819200x64xf32, #tpu.memory_space<hbm>> -> memref<512x64xf32, #tpu.memory_space<hbm>>
        tpu.wait_dma2 semaphore(%run_scoped3A : memref<!tpu.dma_semaphore, #tpu.memory_space<semaphore_mem>>) src(%arg10 : memref<512x64xf32, #tpu.memory_space<vmem>>) dst(%dma_wait3A_183 : memref<512x64xf32, #tpu.memory_space<hbm>>)
        tpu.yield
      }) : () -> ()
      "tpu.region"() ({
        %run_scoped3A = tpu.sem_alloc : memref<!tpu.dma_semaphore, #tpu.memory_space<semaphore_mem>>
        %dma_start3A_176 = tpu.memref_slice %arg7[%add3A_149] : memref<819200xi32, #tpu.memory_space<hbm>> -> memref<512xi32, #tpu.memory_space<hbm>>
        %dma_start3A_177 = tpu.memref_slice %arg7[%add3A_149] : memref<819200xi32, #tpu.memory_space<hbm>> -> memref<512xi32, #tpu.memory_space<hbm>>
        tpu.enqueue_dma source(%arg14 : memref<512xi32, #tpu.memory_space<vmem>>) target(%dma_start3A_177 : memref<512xi32, #tpu.memory_space<hbm>>) target_semaphore(%run_scoped3A : memref<!tpu.dma_semaphore, #tpu.memory_space<semaphore_mem>>)
        %dma_wait3A_178 = tpu.memref_slice %arg7[%add3A_149] : memref<819200xi32, #tpu.memory_space<hbm>> -> memref<512xi32, #tpu.memory_space<hbm>>
        %dma_wait3A_179 = tpu.memref_slice %arg7[%add3A_149] : memref<819200xi32, #tpu.memory_space<hbm>> -> memref<512xi32, #tpu.memory_space<hbm>>
        tpu.wait_dma2 semaphore(%run_scoped3A : memref<!tpu.dma_semaphore, #tpu.memory_space<semaphore_mem>>) src(%arg14 : memref<512xi32, #tpu.memory_space<vmem>>) dst(%dma_wait3A_179 : memref<512xi32, #tpu.memory_space<hbm>>)
        tpu.yield
      }) : () -> ()
      %add3A_157 = arith.constant 2 : i32
      %add3A_158 = arith.addi %mul3A_138, %add3A_157 : i32
      %lt3A_159 = arith.constant 50 : i32
      %lt3A_160 = arith.cmpi slt, %add3A_158, %lt3A_159 : i32
      %convert_element_type3A = arith.extui %lt3A_160 : i1 to i32
      %cond3A = arith.constant 0 : i32
      %cond3A_161 = arith.cmpi ne, %convert_element_type3A, %cond3A : i32
      scf.if %cond3A_161 {
        %add3A_176 = arith.constant 2 : i32
        %add3A_177 = arith.addi %mul3A_138, %add3A_176 : i32
        %mul3A_178 = arith.constant 512 : i32
        %mul3A_179 = arith.muli %add3A_177, %mul3A_178 : i32
        %add3A_180 = arith.addi %mul3A_2, %mul3A_179 : i32
        "tpu.region"() ({
          %run_scoped3A = tpu.sem_alloc : memref<!tpu.dma_semaphore, #tpu.memory_space<semaphore_mem>>
          %dma_start3A_184 = tpu.memref_slice %arg2[%add3A_180] : memref<819200xi32, #tpu.memory_space<hbm>> -> memref<512xi32, #tpu.memory_space<hbm>>
          %dma_start3A_185 = tpu.memref_slice %arg2[%add3A_180] : memref<819200xi32, #tpu.memory_space<hbm>> -> memref<512xi32, #tpu.memory_space<hbm>>
          tpu.enqueue_dma source(%dma_start3A_185 : memref<512xi32, #tpu.memory_space<hbm>>) target(%arg8 : memref<512xi32, #tpu.memory_space<vmem>>) target_semaphore(%run_scoped3A : memref<!tpu.dma_semaphore, #tpu.memory_space<semaphore_mem>>)
          %dma_wait3A_186 = tpu.memref_slice %arg2[%add3A_180] : memref<819200xi32, #tpu.memory_space<hbm>> -> memref<512xi32, #tpu.memory_space<hbm>>
          %dma_wait3A_187 = tpu.memref_slice %arg2[%add3A_180] : memref<819200xi32, #tpu.memory_space<hbm>> -> memref<512xi32, #tpu.memory_space<hbm>>
          tpu.wait_dma2 semaphore(%run_scoped3A : memref<!tpu.dma_semaphore, #tpu.memory_space<semaphore_mem>>) src(%dma_wait3A_187 : memref<512xi32, #tpu.memory_space<hbm>>) dst(%arg8 : memref<512xi32, #tpu.memory_space<vmem>>)
          tpu.yield
        }) : () -> ()
        %dma_start3A_181 = arith.constant 0 : i32
        %dma_start3A_182 = arith.constant 0 : i32
        %dma_start3A_183 = tpu.memref_slice %arg3[%dma_start3A_181, %dma_start3A_182] : memref<100000x64xf32, #tpu.memory_space<hbm>> -> memref<100000x64xf32, #tpu.memory_space<hbm>>
        tpu.enqueue_indirect_dma source(%dma_start3A_183 : memref<100000x64xf32, #tpu.memory_space<hbm>>) target(%arg10 : memref<512x64xf32, #tpu.memory_space<vmem>>) offsets(%arg8 : memref<512xi32, #tpu.memory_space<vmem>>) semaphore(%arg15 : memref<!tpu.dma_semaphore, #tpu.memory_space<semaphore_mem>>)
      } else {
      }
      %add3A_162 = arith.constant 1 : i32
      %add3A_163 = arith.addi %mul3A_138, %add3A_162 : i32
      %mul3A_164 = arith.constant 512 : i32
      %mul3A_165 = arith.muli %add3A_163, %mul3A_164 : i32
      %add3A_166 = arith.addi %mul3A_2, %mul3A_165 : i32
      %dma_wait3A_167 = arith.constant 0 : i32
      %dma_wait3A_168 = arith.constant 0 : i32
      %dma_wait3A_169 = tpu.memref_slice %arg3[%dma_wait3A_167, %dma_wait3A_168] : memref<100000x64xf32, #tpu.memory_space<hbm>> -> memref<100000x64xf32, #tpu.memory_space<hbm>>
      tpu.wait_indirect_dma semaphore(%arg16 : memref<!tpu.dma_semaphore, #tpu.memory_space<semaphore_mem>>) src(%dma_wait3A_169 : memref<100000x64xf32, #tpu.memory_space<hbm>>) dst(%arg11 : memref<512x64xf32, #tpu.memory_space<vmem>>)
      %parallel_loop3A_170 = arith.constant 0 : i32
      %parallel_loop3A_171 = arith.constant 32 : i32
      %parallel_loop3A_172 = arith.constant 1 : i32
      scf.for %parallel_loop3A_176 = %parallel_loop3A_170 to %parallel_loop3A_171 step %parallel_loop3A_172  : i32 {
        %parallel_loop3A_177 = arith.constant 16 : i32
        %parallel_loop3A_178 = arith.muli %parallel_loop3A_177, %parallel_loop3A_176 : i32
        %parallel_loop3A_179 = arith.index_cast %parallel_loop3A_178 : i32 to index
        %parallel_loop3A_180 = tpu.vector_load %arg9[%parallel_loop3A_179] {strides = array<i32>} : memref<512xi32, #tpu.memory_space<vmem>>, vector<16xi32>,
        %parallel_loop3A_181 = vector.shape_cast %parallel_loop3A_180 : vector<16xi32> to vector<16xi32>
        %parallel_loop3A_182 = arith.constant 0 : i32
        %parallel_loop3A_183 = vector.broadcast %parallel_loop3A_182 : i32 to vector<16xi32>
        %parallel_loop3A_184 = arith.cmpi sgt, %parallel_loop3A_181, %parallel_loop3A_183 : vector<16xi32>
        %parallel_loop3A_185 = arith.select %parallel_loop3A_184, %broadcast_in_dim3A_26, %broadcast_in_dim3A_28 : vector<16xi1>, vector<16xi32>
        %parallel_loop3A_186 = arith.constant 16 : i32
        %parallel_loop3A_187 = arith.muli %parallel_loop3A_186, %parallel_loop3A_176 : i32
        %parallel_loop3A_188 = arith.index_cast %parallel_loop3A_187 : i32 to index
        %parallel_loop3A_189 = tpu.vector_load %arg14[%parallel_loop3A_188] {strides = array<i32>} : memref<512xi32, #tpu.memory_space<vmem>>, vector<16xi32>,
        %parallel_loop3A_190 = vector.shape_cast %parallel_loop3A_189 : vector<16xi32> to vector<16xi32>
        %parallel_loop3A_191 = vector.shape_cast %parallel_loop3A_185 : vector<16xi32> to vector<16xi32>
        tpu.vector_store %arg14[%parallel_loop3A_188], %parallel_loop3A_191 {strides = array<i32>} : memref<512xi32, #tpu.memory_space<vmem>>, vector<16xi32>,
      } {sc.loop_unroll_factor = 4 : i64, sc.parallel_access}
      %parallel_loop3A_173 = arith.constant 0 : i32
      %parallel_loop3A_174 = arith.constant 512 : i32
      %parallel_loop3A_175 = arith.constant 1 : i32
      scf.for %parallel_loop3A_176 = %parallel_loop3A_173 to %parallel_loop3A_174 step %parallel_loop3A_175  : i32 {
        %parallel_loop3A_177 = arith.index_cast %parallel_loop3A_176 : i32 to index
        %parallel_loop3A_178 = arith.constant 0 : index
        %parallel_loop3A_179 = tpu.vector_load %arg11[%parallel_loop3A_177, %parallel_loop3A_178] {strides = array<i32>} : memref<512x64xf32, #tpu.memory_space<vmem>>, vector<1x16xf32>,
        %parallel_loop3A_180 = vector.shape_cast %parallel_loop3A_179 : vector<1x16xf32> to vector<16xf32>
        %parallel_loop3A_181 = arith.index_cast %parallel_loop3A_176 : i32 to index
        %parallel_loop3A_182 = arith.constant 16 : index
        %parallel_loop3A_183 = tpu.vector_load %arg11[%parallel_loop3A_181, %parallel_loop3A_182] {strides = array<i32>} : memref<512x64xf32, #tpu.memory_space<vmem>>, vector<1x16xf32>,
        %parallel_loop3A_184 = vector.shape_cast %parallel_loop3A_183 : vector<1x16xf32> to vector<16xf32>
        %parallel_loop3A_185 = arith.index_cast %parallel_loop3A_176 : i32 to index
        %parallel_loop3A_186 = arith.constant 32 : index
        %parallel_loop3A_187 = tpu.vector_load %arg11[%parallel_loop3A_185, %parallel_loop3A_186] {strides = array<i32>} : memref<512x64xf32, #tpu.memory_space<vmem>>, vector<1x16xf32>,
        %parallel_loop3A_188 = vector.shape_cast %parallel_loop3A_187 : vector<1x16xf32> to vector<16xf32>
        %parallel_loop3A_189 = arith.index_cast %parallel_loop3A_176 : i32 to index
        %parallel_loop3A_190 = arith.constant 48 : index
        %parallel_loop3A_191 = tpu.vector_load %arg11[%parallel_loop3A_189, %parallel_loop3A_190] {strides = array<i32>} : memref<512x64xf32, #tpu.memory_space<vmem>>, vector<1x16xf32>,
        %parallel_loop3A_192 = vector.shape_cast %parallel_loop3A_191 : vector<1x16xf32> to vector<16xf32>
        %parallel_loop3A_193 = arith.addf %parallel_loop3A_180, %parallel_loop3A_184 : vector<16xf32>
        %parallel_loop3A_194 = arith.addf %parallel_loop3A_188, %parallel_loop3A_192 : vector<16xf32>
        %parallel_loop3A_195 = arith.addf %parallel_loop3A_193, %parallel_loop3A_194 : vector<16xf32>
        %parallel_loop3A_196 = arith.mulf %parallel_loop3A_180, %parallel_loop3A_180 : vector<16xf32>
        %parallel_loop3A_197 = arith.mulf %parallel_loop3A_184, %parallel_loop3A_184 : vector<16xf32>
        %parallel_loop3A_198 = arith.addf %parallel_loop3A_196, %parallel_loop3A_197 : vector<16xf32>
        %parallel_loop3A_199 = arith.mulf %parallel_loop3A_188, %parallel_loop3A_188 : vector<16xf32>
        %parallel_loop3A_200 = arith.mulf %parallel_loop3A_192, %parallel_loop3A_192 : vector<16xf32>
        %parallel_loop3A_201 = arith.addf %parallel_loop3A_199, %parallel_loop3A_200 : vector<16xf32>
        %parallel_loop3A_202 = arith.addf %parallel_loop3A_198, %parallel_loop3A_201 : vector<16xf32>
        %parallel_loop3A_203 = vector.shape_cast %reshape3A : vector<16x1xi32> to vector<16xi32>
        %parallel_loop3A_204 = tpu.dynamic_gather %parallel_loop3A_195[%parallel_loop3A_203] in [0] : vector<16xf32>, vector<16xi32> -> vector<16xf32>
        %parallel_loop3A_205 = arith.addf %parallel_loop3A_195, %parallel_loop3A_204 : vector<16xf32>
        %parallel_loop3A_206 = vector.shape_cast %reshape3A : vector<16x1xi32> to vector<16xi32>
        %parallel_loop3A_207 = tpu.dynamic_gather %parallel_loop3A_202[%parallel_loop3A_206] in [0] : vector<16xf32>, vector<16xi32> -> vector<16xf32>
        %parallel_loop3A_208 = arith.addf %parallel_loop3A_202, %parallel_loop3A_207 : vector<16xf32>
        %parallel_loop3A_209 = vector.shape_cast %reshape3A_74 : vector<16x1xi32> to vector<16xi32>
        %parallel_loop3A_210 = tpu.dynamic_gather %parallel_loop3A_205[%parallel_loop3A_209] in [0] : vector<16xf32>, vector<16xi32> -> vector<16xf32>
        %parallel_loop3A_211 = arith.addf %parallel_loop3A_205, %parallel_loop3A_210 : vector<16xf32>
        %parallel_loop3A_212 = vector.shape_cast %reshape3A_74 : vector<16x1xi32> to vector<16xi32>
        %parallel_loop3A_213 = tpu.dynamic_gather %parallel_loop3A_208[%parallel_loop3A_212] in [0] : vector<16xf32>, vector<16xi32> -> vector<16xf32>
        %parallel_loop3A_214 = arith.addf %parallel_loop3A_208, %parallel_loop3A_213 : vector<16xf32>
        %parallel_loop3A_215 = vector.shape_cast %reshape3A_100 : vector<16x1xi32> to vector<16xi32>
        %parallel_loop3A_216 = tpu.dynamic_gather %parallel_loop3A_211[%parallel_loop3A_215] in [0] : vector<16xf32>, vector<16xi32> -> vector<16xf32>
        %parallel_loop3A_217 = arith.addf %parallel_loop3A_211, %parallel_loop3A_216 : vector<16xf32>
        %parallel_loop3A_218 = vector.shape_cast %reshape3A_100 : vector<16x1xi32> to vector<16xi32>
        %parallel_loop3A_219 = tpu.dynamic_gather %parallel_loop3A_214[%parallel_loop3A_218] in [0] : vector<16xf32>, vector<16xi32> -> vector<16xf32>
        %parallel_loop3A_220 = arith.addf %parallel_loop3A_214, %parallel_loop3A_219 : vector<16xf32>
        %parallel_loop3A_221 = vector.shape_cast %reshape3A_126 : vector<16x1xi32> to vector<16xi32>
        %parallel_loop3A_222 = tpu.dynamic_gather %parallel_loop3A_217[%parallel_loop3A_221] in [0] : vector<16xf32>, vector<16xi32> -> vector<16xf32>
        %parallel_loop3A_223 = arith.addf %parallel_loop3A_217, %parallel_loop3A_222 : vector<16xf32>
        %parallel_loop3A_224 = vector.shape_cast %reshape3A_126 : vector<16x1xi32> to vector<16xi32>
        %parallel_loop3A_225 = tpu.dynamic_gather %parallel_loop3A_220[%parallel_loop3A_224] in [0] : vector<16xf32>, vector<16xi32> -> vector<16xf32>
        %parallel_loop3A_226 = arith.addf %parallel_loop3A_220, %parallel_loop3A_225 : vector<16xf32>
        %parallel_loop3A_227 = arith.constant 1.562500e-02 : f32
        %parallel_loop3A_228 = vector.broadcast %parallel_loop3A_227 : f32 to vector<16xf32>
        %parallel_loop3A_229 = arith.mulf %parallel_loop3A_223, %parallel_loop3A_228 : vector<16xf32>
        %parallel_loop3A_230 = arith.constant 1.562500e-02 : f32
        %parallel_loop3A_231 = vector.broadcast %parallel_loop3A_230 : f32 to vector<16xf32>
        %parallel_loop3A_232 = arith.mulf %parallel_loop3A_226, %parallel_loop3A_231 : vector<16xf32>
        %parallel_loop3A_233 = arith.mulf %parallel_loop3A_229, %parallel_loop3A_229 : vector<16xf32>
        %parallel_loop3A_234 = arith.subf %parallel_loop3A_232, %parallel_loop3A_233 : vector<16xf32>
        %parallel_loop3A_235 = arith.constant 9.99999974E-6 : f32
        %parallel_loop3A_236 = vector.broadcast %parallel_loop3A_235 : f32 to vector<16xf32>
        %parallel_loop3A_237 = arith.addf %parallel_loop3A_234, %parallel_loop3A_236 : vector<16xf32>
        %parallel_loop3A_238 = tpu.bitcast %parallel_loop3A_237 : vector<16xf32> -> vector<16xi32>
        %parallel_loop3A_239 = arith.constant 1 : i32
        %parallel_loop3A_240 = vector.broadcast %parallel_loop3A_239 : i32 to vector<16xi32>
        %parallel_loop3A_241 = arith.shrui %parallel_loop3A_238, %parallel_loop3A_240 : vector<16xi32>
        %parallel_loop3A_242 = arith.subi %broadcast_in_dim3A_30, %parallel_loop3A_241 : vector<16xi32>
        %parallel_loop3A_243 = tpu.bitcast %parallel_loop3A_242 : vector<16xi32> -> vector<16xf32>
        %parallel_loop3A_244 = arith.constant 5.000000e-01 : f32
        %parallel_loop3A_245 = vector.broadcast %parallel_loop3A_244 : f32 to vector<16xf32>
        %parallel_loop3A_246 = arith.mulf %parallel_loop3A_237, %parallel_loop3A_245 : vector<16xf32>
        %parallel_loop3A_247 = arith.mulf %parallel_loop3A_246, %parallel_loop3A_243 : vector<16xf32>
        %parallel_loop3A_248 = arith.mulf %parallel_loop3A_247, %parallel_loop3A_243 : vector<16xf32>
        %parallel_loop3A_249 = arith.constant 1.500000e+00 : f32
        %parallel_loop3A_250 = vector.broadcast %parallel_loop3A_249 : f32 to vector<16xf32>
        %parallel_loop3A_251 = arith.subf %parallel_loop3A_250, %parallel_loop3A_248 : vector<16xf32>
        %parallel_loop3A_252 = arith.mulf %parallel_loop3A_243, %parallel_loop3A_251 : vector<16xf32>
        %parallel_loop3A_253 = arith.subf %parallel_loop3A_180, %parallel_loop3A_229 : vector<16xf32>
        %parallel_loop3A_254 = arith.mulf %parallel_loop3A_253, %parallel_loop3A_252 : vector<16xf32>
        %parallel_loop3A_255 = arith.mulf %parallel_loop3A_254, %get3A_4 : vector<16xf32>
        %parallel_loop3A_256 = arith.addf %parallel_loop3A_255, %get3A_16 : vector<16xf32>
        %parallel_loop3A_257 = arith.index_cast %parallel_loop3A_176 : i32 to index
        %parallel_loop3A_258 = arith.constant 0 : index
        %parallel_loop3A_259 = tpu.vector_load %arg11[%parallel_loop3A_257, %parallel_loop3A_258] {strides = array<i32>} : memref<512x64xf32, #tpu.memory_space<vmem>>, vector<1x16xf32>,
        %parallel_loop3A_260 = vector.shape_cast %parallel_loop3A_259 : vector<1x16xf32> to vector<16xf32>
        %parallel_loop3A_261 = vector.shape_cast %parallel_loop3A_256 : vector<16xf32> to vector<1x16xf32>
        tpu.vector_store %arg11[%parallel_loop3A_257, %parallel_loop3A_258], %parallel_loop3A_261 {strides = array<i32>} : memref<512x64xf32, #tpu.memory_space<vmem>>, vector<1x16xf32>,
        %parallel_loop3A_262 = arith.subf %parallel_loop3A_184, %parallel_loop3A_229 : vector<16xf32>
        %parallel_loop3A_263 = arith.mulf %parallel_loop3A_262, %parallel_loop3A_252 : vector<16xf32>
        %parallel_loop3A_264 = arith.mulf %parallel_loop3A_263, %get3A_7 : vector<16xf32>
        %parallel_loop3A_265 = arith.addf %parallel_loop3A_264, %get3A_19 : vector<16xf32>
        %parallel_loop3A_266 = arith.index_cast %parallel_loop3A_176 : i32 to index
        %parallel_loop3A_267 = arith.constant 16 : index
        %parallel_loop3A_268 = tpu.vector_load %arg11[%parallel_loop3A_266, %parallel_loop3A_267] {strides = array<i32>} : memref<512x64xf32, #tpu.memory_space<vmem>>, vector<1x16xf32>,
        %parallel_loop3A_269 = vector.shape_cast %parallel_loop3A_268 : vector<1x16xf32> to vector<16xf32>
        %parallel_loop3A_270 = vector.shape_cast %parallel_loop3A_265 : vector<16xf32> to vector<1x16xf32>
        tpu.vector_store %arg11[%parallel_loop3A_266, %parallel_loop3A_267], %parallel_loop3A_270 {strides = array<i32>} : memref<512x64xf32, #tpu.memory_space<vmem>>, vector<1x16xf32>,
        %parallel_loop3A_271 = arith.subf %parallel_loop3A_188, %parallel_loop3A_229 : vector<16xf32>
        %parallel_loop3A_272 = arith.mulf %parallel_loop3A_271, %parallel_loop3A_252 : vector<16xf32>
        %parallel_loop3A_273 = arith.mulf %parallel_loop3A_272, %get3A_10 : vector<16xf32>
        %parallel_loop3A_274 = arith.addf %parallel_loop3A_273, %get3A_22 : vector<16xf32>
        %parallel_loop3A_275 = arith.index_cast %parallel_loop3A_176 : i32 to index
        %parallel_loop3A_276 = arith.constant 32 : index
        %parallel_loop3A_277 = tpu.vector_load %arg11[%parallel_loop3A_275, %parallel_loop3A_276] {strides = array<i32>} : memref<512x64xf32, #tpu.memory_space<vmem>>, vector<1x16xf32>,
        %parallel_loop3A_278 = vector.shape_cast %parallel_loop3A_277 : vector<1x16xf32> to vector<16xf32>
        %parallel_loop3A_279 = vector.shape_cast %parallel_loop3A_274 : vector<16xf32> to vector<1x16xf32>
        tpu.vector_store %arg11[%parallel_loop3A_275, %parallel_loop3A_276], %parallel_loop3A_279 {strides = array<i32>} : memref<512x64xf32, #tpu.memory_space<vmem>>, vector<1x16xf32>,
        %parallel_loop3A_280 = arith.subf %parallel_loop3A_192, %parallel_loop3A_229 : vector<16xf32>
        %parallel_loop3A_281 = arith.mulf %parallel_loop3A_280, %parallel_loop3A_252 : vector<16xf32>
        %parallel_loop3A_282 = arith.mulf %parallel_loop3A_281, %get3A_13 : vector<16xf32>
        %parallel_loop3A_283 = arith.addf %parallel_loop3A_282, %get3A_25 : vector<16xf32>
        %parallel_loop3A_284 = arith.index_cast %parallel_loop3A_176 : i32 to index
        %parallel_loop3A_285 = arith.constant 48 : index
        %parallel_loop3A_286 = tpu.vector_load %arg11[%parallel_loop3A_284, %parallel_loop3A_285] {strides = array<i32>} : memref<512x64xf32, #tpu.memory_space<vmem>>, vector<1x16xf32>,
        %parallel_loop3A_287 = vector.shape_cast %parallel_loop3A_286 : vector<1x16xf32> to vector<16xf32>
        %parallel_loop3A_288 = vector.shape_cast %parallel_loop3A_283 : vector<16xf32> to vector<1x16xf32>
        tpu.vector_store %arg11[%parallel_loop3A_284, %parallel_loop3A_285], %parallel_loop3A_288 {strides = array<i32>} : memref<512x64xf32, #tpu.memory_space<vmem>>, vector<1x16xf32>,
      } {sc.loop_unroll_factor = 4 : i64, sc.parallel_access}
      "tpu.region"() ({
        %run_scoped3A = tpu.sem_alloc : memref<!tpu.dma_semaphore, #tpu.memory_space<semaphore_mem>>
        %dma_start3A_176 = arith.constant 0 : i32
        %dma_start3A_177 = tpu.memref_slice %arg6[%add3A_166, %dma_start3A_176] : memref<819200x64xf32, #tpu.memory_space<hbm>> -> memref<512x64xf32, #tpu.memory_space<hbm>>
        %dma_start3A_178 = arith.constant 0 : i32
        %dma_start3A_179 = tpu.memref_slice %arg6[%add3A_166, %dma_start3A_178] : memref<819200x64xf32, #tpu.memory_space<hbm>> -> memref<512x64xf32, #tpu.memory_space<hbm>>
        tpu.enqueue_dma source(%arg11 : memref<512x64xf32, #tpu.memory_space<vmem>>) target(%dma_start3A_179 : memref<512x64xf32, #tpu.memory_space<hbm>>) target_semaphore(%run_scoped3A : memref<!tpu.dma_semaphore, #tpu.memory_space<semaphore_mem>>)
        %dma_wait3A_180 = arith.constant 0 : i32
        %dma_wait3A_181 = tpu.memref_slice %arg6[%add3A_166, %dma_wait3A_180] : memref<819200x64xf32, #tpu.memory_space<hbm>> -> memref<512x64xf32, #tpu.memory_space<hbm>>
        %dma_wait3A_182 = arith.constant 0 : i32
        %dma_wait3A_183 = tpu.memref_slice %arg6[%add3A_166, %dma_wait3A_182] : memref<819200x64xf32, #tpu.memory_space<hbm>> -> memref<512x64xf32, #tpu.memory_space<hbm>>
        tpu.wait_dma2 semaphore(%run_scoped3A : memref<!tpu.dma_semaphore, #tpu.memory_space<semaphore_mem>>) src(%arg11 : memref<512x64xf32, #tpu.memory_space<vmem>>) dst(%dma_wait3A_183 : memref<512x64xf32, #tpu.memory_space<hbm>>)
        tpu.yield
      }) : () -> ()
      "tpu.region"() ({
        %run_scoped3A = tpu.sem_alloc : memref<!tpu.dma_semaphore, #tpu.memory_space<semaphore_mem>>
        %dma_start3A_176 = tpu.memref_slice %arg7[%add3A_166] : memref<819200xi32, #tpu.memory_space<hbm>> -> memref<512xi32, #tpu.memory_space<hbm>>
        %dma_start3A_177 = tpu.memref_slice %arg7[%add3A_166] : memref<819200xi32, #tpu.memory_space<hbm>> -> memref<512xi32, #tpu.memory_space<hbm>>
        tpu.enqueue_dma source(%arg14 : memref<512xi32, #tpu.memory_space<vmem>>) target(%dma_start3A_177 : memref<512xi32, #tpu.memory_space<hbm>>) target_semaphore(%run_scoped3A : memref<!tpu.dma_semaphore, #tpu.memory_space<semaphore_mem>>)
        %dma_wait3A_178 = tpu.memref_slice %arg7[%add3A_166] : memref<819200xi32, #tpu.memory_space<hbm>> -> memref<512xi32, #tpu.memory_space<hbm>>
        %dma_wait3A_179 = tpu.memref_slice %arg7[%add3A_166] : memref<819200xi32, #tpu.memory_space<hbm>> -> memref<512xi32, #tpu.memory_space<hbm>>
        tpu.wait_dma2 semaphore(%run_scoped3A : memref<!tpu.dma_semaphore, #tpu.memory_space<semaphore_mem>>) src(%arg14 : memref<512xi32, #tpu.memory_space<vmem>>) dst(%dma_wait3A_179 : memref<512xi32, #tpu.memory_space<hbm>>)
        tpu.yield
      }) : () -> ()
    }
    %scan3A_135 = arith.constant 25 : i32
    return
  }
}

</mosaic_0001>

<sc_bundles>
// kernel: _lru_embed.3.cloned.1.call-start
scs
__scs_entry_jumppad:
0x0: {  	(pc) =	sbr.rel $0x88, $3  }
0x1: {  	(tag) =	ssettag $0x0;
	lr =	simm.s32 $0x1  }
0x2: {  	[smem:$0x3F9D] =	sst lr;
	_ =	strace $0xD0000000  }
0x3: {  	_ = 	snop  }
0x4: {  	_ = 	snop  }
0x5: {  	_ = 	snop  }
0x6: {  	_ = 	snop  }
0x7: {  	_ = 	snop  }
__scs_overlays_trampoline_lowered:
0x8: {  	[smem:$0x3FAC] =	sst s0  }
0x9: {  	[smem:$0x3FAD] =	sst s1  }
0xa: {  	[smem:$0x3FAE] =	sst s2  }
0xb: {  	[smem:$0x3FAF] =	sst s3  }
0xc: {  	[smem:$0x3FB0] =	sst s4  }
0xd: {  	[smem:$0x3FB1] =	sst s5  }
0xe: {  	[smem:$0x3FB2] =	sst s6  }
0xf: {  	[smem:$0x3FB3] =	sst s7  }
0x10: {  	[smem:$0x3FB4] =	sst s8  }
0x11: {  	[smem:$0x3FB5] =	sst s9;
	s0 =	simm.s32 @!p0 $0x0  }
0x12: {  	s1 =	sld [smem:$0x3F9B];
	s0 =	simm.s32 @p0 $0x1  }
0x13: {  	[smem:$0x3FB6] =	sst s0;
	s0 =	simm.s32 @!p1 $0x0  }
0x14: {  	s2 =	sld [smem:$0x3F9A];
	s0 =	simm.s32 @p1 $0x1  }
0x15: {  	[smem:$0x3FB7] =	sst s0;
	s0 =	simm.s32 @!p2 $0x0  }
0x16: {  	s3 =	sld [smem:$0x3FDB];
	s0 =	simm.s32 @p2 $0x1  }
0x17: {  	s4 =	simm.s32 $0x1BF5;
	[smem:$0x3FB9] =	sst s0  }
0x18: {  	s0 =	sld [smem:$0x3F9C];
	_ =	swait.ge [sflag:s4], $0x0  }
0x19: {  	s7 =	sld [smem:$0x3F9D]  }
0x1a: {  	s8 =	sadd.s32 $0xFFFFE003, lr  }
0x1b: {  	s9 =	sadd.s32 $0xFFFFFEF7, lr;
	s5 =	simm.s32 $0xFFFFFFFF;
	p2 =	slt.u32 s8, $0xFFFFF086  }
0x1c: {  	p1 =	slt.u32 s9, $0xF7A;
	s5 =	simm.s32 @!p2 $0x0  }
0x1d: {  	s5 =	simm.s32 @p1 $0x1;
	p0 =	seq.s32 s7, s2  }
0x1e: {  	s7 =	smul.u32 @!p0 $0xF7A, s2;
	p2 =	seq.s32 @!p0 s5, $0x0  }
0x1f: {  	s9 =	smul.u32 $0xF7A, s1;
	s8 =	simm.s32 @!p0 $0x1BF5;
	p2 =	por !p2, p0  }
0x20: {  	[sflag:s8] =	ssyncset.s32 @!p0 $0xFFFFF086;
	s6 =	sadd.s32 @!p0 s3, s7;
	s7 =	simm.s32 @!p0 $0x108  }
0x21: {  	s3 =	sadd.s32 s3, s9;
	s6 =	sadd.s32 @!p0 $0x88, s6;
	s7 =	simm.s32 @p2 $0x1082  }
0x22: {  	[simem:s7], [sflag:s8] =	dma.local @!p0 [hbm:s6], $0xF7A  }
0x23: {  	s9 =	sor.u32 $0xD0000000, s2;
	s6 =	simm.s32 $0x108;
	_ =	swait.ge @!p0 [sflag:s8], $0x0  }
0x24: {  	s3 =	sadd.s32 $0x88, s3;
	s6 =	simm.s32 @!p1 $0x1082;
	[sflag:s4] =	ssyncset.s32 $0xFFFFF086  }
0x25: {  	[simem:s6], [sflag:s4] =	dma.local [hbm:s3], $0xF7A  }
0x26: {  	[smem:$0x3F9D] =	sst s1;
	(tag) =	ssettag s2;
	_ =	strace s9  }
0x27: {  	s1 =	sld [smem:$0x3FAD]  }
0x28: {  	s2 =	sld [smem:$0x3FAE]  }
0x29: {  	s4 =	sld [smem:$0x3FB0]  }
0x2a: {  	p0 =	seq.s32 s5, $0x0;
	s5 =	sld [smem:$0x3FB1]  }
0x2b: {  	s6 =	sld [smem:$0x3FB2]  }
0x2c: {  	s7 =	sld [smem:$0x3FB3]  }
0x2d: {  	s3 =	simm.s32 $0x108;
	s8 =	sld [smem:$0x3FB4]  }
0x2e: {  	s3 =	simm.s32 @!p0 $0x1082;
	s9 =	sld [smem:$0x3FB5]  }
0x2f: {  	lr =	sadd.s32 s0, s3;
	s0 =	sld [smem:$0x3FAC]  }
0x30: {  	s3 =	sld [smem:$0x3FAF]  }
0x31: {  	[smem:$0x3FB8] =	sst s10  }
0x32: {  	s10 =	sld [smem:$0x3FB6];
	_ =	sdelay $0x3  }
0x33: {  	p0 =	seq.s32 s10, $0x1;
	s10 =	sld [smem:$0x3FB8];
	_ =	sdelay $0x3  }
0x34: {  	[smem:$0x3FB8] =	sst s10  }
0x35: {  	s10 =	sld [smem:$0x3FB7];
	_ =	sdelay $0x3  }
0x36: {  	p1 =	seq.s32 s10, $0x1;
	s10 =	sld [smem:$0x3FB8];
	_ =	sdelay $0x3  }
0x37: {  	[smem:$0x3FB8] =	sst s10  }
0x38: {  	s10 =	sld [smem:$0x3FB9]  }
0x39: {  	_ = 	snop;
	(pc) =	sbr.ind lr, $3  }
0x3a: {  	_ = 	snop  }
0x3b: {  	_ = 	snop  }
0x3c: {  	p2 =	seq.s32 s10, $0x1;
	s10 =	sld [smem:$0x3FB8]  }
0x3d: {  	_ =	shalt  }
0x3e: {  	_ =	shalt  }
0x3f: {  	_ =	shalt  }
0x40: {  	_ =	shalt  }
0x41: {  	_ =	shalt  }
0x42: {  	_ =	shalt  }
0x43: {  	_ =	shalt  }
0x44: {  	_ =	shalt  }
0x45: {  	_ =	shalt  }
0x46: {  	_ =	shalt  }
0x47: {  	_ =	shalt  }
0x48: {  	_ =	shalt  }
0x49: {  	_ =	shalt  }
0x4a: {  	_ =	shalt  }
0x4b: {  	_ =	shalt  }
0x4c: {  	_ =	shalt  }
0x4d: {  	_ =	shalt  }
0x4e: {  	_ =	shalt  }
0x4f: {  	_ =	shalt  }
0x50: {  	_ =	shalt  }
0x51: {  	_ =	shalt  }
0x52: {  	_ =	shalt  }
0x53: {  	_ =	shalt  }
0x54: {  	_ =	shalt  }
0x55: {  	_ =	shalt  }
0x56: {  	_ =	shalt  }
0x57: {  	_ =	shalt  }
0x58: {  	_ =	shalt  }
0x59: {  	_ =	shalt  }
0x5a: {  	_ =	shalt  }
0x5b: {  	_ =	shalt  }
0x5c: {  	_ =	shalt  }
0x5d: {  	_ =	shalt  }
0x5e: {  	_ =	shalt  }
0x5f: {  	_ =	shalt  }
0x60: {  	_ =	shalt  }
0x61: {  	_ =	shalt  }
0x62: {  	_ =	shalt  }
0x63: {  	_ =	shalt  }
0x64: {  	_ =	shalt  }
0x65: {  	_ =	shalt  }
0x66: {  	_ =	shalt  }
0x67: {  	_ =	shalt  }
0x68: {  	_ =	shalt  }
0x69: {  	_ =	shalt  }
0x6a: {  	_ =	shalt  }
0x6b: {  	_ =	shalt  }
0x6c: {  	_ =	shalt  }
0x6d: {  	_ =	shalt  }
0x6e: {  	_ =	shalt  }
0x6f: {  	_ =	shalt  }
0x70: {  	_ =	shalt  }
0x71: {  	_ =	shalt  }
0x72: {  	_ =	shalt  }
0x73: {  	_ =	shalt  }
0x74: {  	_ =	shalt  }
0x75: {  	_ =	shalt  }
0x76: {  	_ =	shalt  }
0x77: {  	_ =	shalt  }
0x78: {  	_ =	shalt  }
0x79: {  	_ =	shalt  }
0x7a: {  	_ =	shalt  }
0x7b: {  	_ =	shalt  }
0x7c: {  	_ =	shalt  }
0x7d: {  	_ =	shalt  }
0x7e: {  	_ =	shalt  }
0x7f: {  	_ =	shalt  }
0x80: {  	_ =	shalt  }
0x81: {  	_ =	shalt  }
0x82: {  	_ =	shalt  }
0x83: {  	_ =	shalt  }
0x84: {  	_ =	shalt  }
0x85: {  	_ =	shalt  }
0x86: {  	_ =	shalt  }
0x87: {  	_ =	shalt  }
.Lfunc_end0:
.L_simem_size_0:
called_computation.1_lowered:
.L_overlay_start_0:
0x88: {  	s2 =	sld [smem:$0x3FD9]  }
0x89: {  	s3 =	sld [smem:$0x3FFE];
	_ =	sdelay $0x1  }
0x8a: {  	s1 =	srdreg.scid  }
0x8b: {  	s0 =	sand.u32 $0x1, s1  }
0x8c: {  	s14 =	sshll.u32 s0, $0xA;
	s2 =	sadd.s32 s3, s2  }
0x8d: {  	s2 =	sadd.s32 s2, s14  }
0x8e: {  	[smem:$0x3FC4] =	sst s2  }
0x8f: {  	_ = 	snop  }
0x90: {  	s2 =	sld [smem:$0x3FD0]  }
0x91: {  	s15 =	sld [smem:$0x3FC9]  }
0x92: {  	s4 =	sld [smem:$0x3FC7]  }
0x93: {  	s6 =	simm.s32 $0xA;
	s7 =	simm.s32 $0x10;
	s5 =	sld [smem:$0x3FC6]  }
0x94: {  	[smem:s7], [sflag:s6] =	dma.local [hbm:s2], $0x1  }
0x95: {  	_ =	swait.eq [sflag:s6], $0x1  }
0x96: {  	[sflag:s6] =	ssyncset.done $0x0  }
0x97: {  	s16 =	sld [smem:$0x10];
	[sflag:s6] =	ssyncadd.s32 $0xFFFFFFFF  }
0x98: {  	s17 =	sld [smem:$0x11];
	(tm) =	ssettm $0x1  }
0x99: {  	s18 =	sld [smem:$0x3FFB];
	_ =	sdelay $0x3  }
0x9a: {  	_ =	strace s18  }
0x9b: {  	s7 =	sld [smem:$0x3FFC];
	_ =	sdelay $0x3  }
0x9c: {  	_ =	strace s7  }
0x9d: {  	s7 =	sld [smem:$0x3FFD];
	_ =	sdelay $0x3  }
0x9e: {  	_ =	strace s7  }
0x9f: {  	_ =	strace $0x8FFFFFFF  }
0xa0: {  	s19 =	sld [smem:$0x3FDB];
	_ =	sdelay $0x1  }
0xa1: {  	s8 =	simm.s32 $_scs_section_size  }
0xa2: {  	s9 =	simm.s32 $_size__tile_overlayer_lowered;
	s10 =	simm.s32 $_tile_overlayer_lowered  }
0xa3: {  	s22 =	simm.s32 $0x1BFF;
	s21 =	sshll.u32 s10, $0x1;
	s7 =	sadd.s32 s8, s19  }
0xa4: {  	s11 =	simm.s32 $0x0;
	s20 =	sshll.u32 s9, $0x1;
	s9 =	sadd.s32 s21, s7  }
0xa5: {  	[timem:s11], [sflag:s22] =	dma.local [hbm:s9], s20  }
0xa6: {  	_ =	swait.ge [sflag:s22], s20  }
0xa7: {  	s8 =	ssub.s32 $0x0, s20;
	[sflag:s22] =	ssyncset.done $0x0  }
0xa8: {  	[sflag:s22] =	ssyncadd.s32 s8;
	_ =	sdelay $0x1  }
0xa9: {  	s23 =	simm.s32 $0x1B8B  }
0xaa: {  	_ =	swait.ge [sflag:s23], $0x1  }
0xab: {  	[sflag:s23] =	ssyncset.done $0x0  }
0xac: {  	s25 =	simm.s32 $0x1B8E;
	s24 =	sld [smem:$0x3FFE];
	[sflag:s23] =	ssyncadd.s32 $0xFFFFFFFF  }
0xad: {  	s26 =	simm.s32 $execute0_lowered;
	[smem:$0x3FD2] =	sst s25  }
0xae: {  	s9 =	sshll.u32 s26, $0x1;
	_ =	strace $0x80000046;
	[dreg:$0x1] =	wrdreg $0xFFFFFFFF  }
0xaf: {  	s28 =	simm.s32 $_size_execute0_lowered;
	s7 =	sadd.s32 s7, s9;
	[dreg:$0x0] =	wrdreg $0x0  }
0xb0: {  	s9 =	sshll.u32 s28, $0x1;
	[dreg:$0x2] =	wrdreg s7  }
0xb1: {  	[dreg:$0x3] =	wrdreg s9  }
0xb2: {  	[dreg:$0x4] =	wrdreg $0xC0  }
0xb3: {  	_ =	task [dreg:s11], $0x5FFFF  }
0xb4: {  	[dreg:$0x1] =	wrdreg $0xFFFFFFFF  }
0xb5: {  	[dreg:$0x0] =	wrdreg $0x60  }
0xb6: {  	[dreg:$0x2] =	wrdreg s15  }
0xb7: {  	[dreg:$0x3] =	wrdreg s24  }
0xb8: {  	[dreg:$0x4] =	wrdreg s4  }
0xb9: {  	[dreg:$0x5] =	wrdreg s5  }
0xba: {  	[dreg:$0x6] =	wrdreg s16  }
0xbb: {  	[dreg:$0x7] =	wrdreg s17  }
0xbc: {  	[dreg:$0x8] =	wrdreg $0x9  }
0xbd: {  	_ =	task.clear_ibuf [dreg:s11], $0x9FFFF;
	_ =	strace $0x90000046  }
0xbe: {  	s29 =	simm.s32 $0x9;
	_ =	strace $0x80000048  }
0xbf: {  	_ =	swait.ge [sflag:s29], $0x1  }
0xc0: {  	[sflag:s29] =	ssyncadd.s32 $0xFFFFFFFF  }
0xc1: {  	_ =	strace $0x90000048  }
0xc2: {  	_ =	sfence  }
0xc3: {  	s30 =	sld [smem:$0x0];
	_ =	sdelay $0x2  }
0xc4: {  	s31 =	sshll.u32 s1, $0xD;
	s1 =	sshrl.u32 s1, $0x2  }
0xc5: {  	s3 =	sand.u32 $0x4000, s31;
	s1 =	sadd.s32 s1, s30  }
0xc6: {  	s0 =	sor.u32 s3, s0;
	s1 =	sshll.u32 s1, $0x11  }
0xc7: {  	s0 =	sor.u32 s1, s0  }
0xc8: {  	s0 =	sadd.s32 $0x8F2B, s0  }
0xc9: {  	[sflag:s0] =	ssyncadd.remote.s32 $0x1  }
0xca: {  	_ =	sfence.sel $0xFFFF  }
0xcb: {  	[dreg:$0x0] =	wrdreg $0xFFFFFFFF;
	(pc) =	sbr.abs _section_cstart, $3  }
0xcc: {  	[dreg:$0x1] =	wrdreg $0xFFFFFFFF  }
0xcd: {  	_ =	task.clear_ibuf [dreg:s11], $0x2FFFF;
	_ =	strace $0x9FFFFFFF  }
0xce: {  	(tm) =	ssettm $0x7FFFFFFF  }
0xcf: {  	_ =	shalt  }
tec
execute0_lowered:
.L_overlay_start_1:
0x0: {  	(tag) =	ssettag $0x1  }
0x1: {  	s0 =	rddreg [dreg:$0x0]  }
0x2: {  	s9 =	rddreg [dreg:$0x1]  }
0x3: {  	v0 =	vimm.s32 $0xFEDCBA98;
	s2 =	rddreg [dreg:$0x2];
	v1 =	vimm.s32 $0x76543210  }
0x4: {  	s4 =	srdreg.scid;
	s3 =	rddreg [dreg:$0x3];
	v2 =	vimm.s32 $0x3210FEDC;
	v3 =	vimm.s32 $0xBA987654;
	v4 =	vimm.s32 $0x10FEDCBA  }
0x5: {  	s1 =	stileid.u32;
	s6 =	rddreg [dreg:$0x5];
	v5 =	vimm.s32 $0x98765432;
	v6 =	vimm.s32 $0xFEDCBA9;
	v7 =	vimm.s32 $0x87654321  }
0x6: {  	s8 =	simm.s32 $0x0;
	s14 =	simm.s32 $0x3;
	s15 =	simm.s32 $0x10440;
	v0 =	vunpack.c.l.s4.s8 v0;
	v1 =	vunpack.c.l.s4.s8 v1;
	v2 =	vunpack.c.l.s4.s8 v2  }
0x7: {  	s16 =	simm.s32 $0x200;
	s17 =	simm.s32 $0x400;
	s18 =	simm.s32 $0x8400;
	v3 =	vunpack.c.l.s4.s8 v3;
	v4 =	vunpack.c.l.s4.s8 v4;
	v5 =	vunpack.c.l.s4.s8 v5  }
0x8: {  	s19 =	simm.s32 $0x1;
	s20 =	simm.s32 $0x10480;
	s21 =	simm.s32 $0x2;
	v6 =	vunpack.c.l.s4.s8 v6;
	v7 =	vunpack.c.l.s4.s8 v7;
	v0 =	vunpack.c.0.s8.s32 v0  }
0x9: {  	s10 =	sand.u32 $0x1, s4;
	s5 =	sshll.u32 s1, $0x1;
	s4 =	rddreg [dreg:$0x4];
	v2 =	vunpack.c.0.s8.s32 v2;
	v3 =	vunpack.c.0.s8.s32 v3;
	v4 =	vunpack.c.0.s8.s32 v4  }
0xa: {  	s22 =	simm.s32 $0x0;
	[smem:$0x7FF] =	sst s8;
	s5 =	sor.u32 s10, s5;
	v5 =	vunpack.c.0.s8.s32 v5;
	v6 =	vunpack.c.0.s8.s32 v6;
	v7 =	vunpack.c.0.s8.s32 v7  }
0xb: {  	s9 =	sadd.s32 $0xC00, s9;
	s10 =	ssub.s32 $0x2, s10;
	s7 =	smul.u32 $0x6400, s5;
	v1 =	vunpack.c.0.s8.s32 v1;
	v2 =	vcombine.low v3, v2  }
0xc: {  	s5 =	rddreg [dreg:$0x6];
	_ =	strace $0x80000047;
	s11 =	sshrl.u32 s10, $0x1;
	v3 =	vcombine.low v5, v4;
	v4 =	vand.u32 $0xF, v0;
	v5 =	vcombine.low v7, v6  }
0xd: {  	s13 =	ssub.s32 s10, s11;
	s12 =	sshrl.u32 s7, $0x3;
	s11 =	sadd.s32 $0x400, s7;
	v0 =	vimm.s32 $0x0;
	v1 =	vcombine.low v4, v1  }
0xe: {  	s10 =	sadd.s32 s0, s12;
	s12 =	smax.u32 s13, $0x1;
	s13 =	simm.s32 $0x10400;
	v2 =	vand.u32 $0xF, v2;
	v3 =	vand.u32 $0xF, v3;
	v4 =	vand.u32 $0xF, v5  }
.LBB2_1:
0xf: {  	[tilespmem:s13], [sflag:$0x3] =	stream.linear.gather [hbm4b:s2+s8], $0x40, $0x38;
	[tilespmem:$0x10680] =	vst v63  }
0x10: {  	_ =	swait.ge [sflag:s14], $0x40  }
0x11: {  	[sflag:s14] =	ssyncset.done $0x0  }
0x12: {  	[sflag:s14] =	ssyncadd.s32 $0xFFFFFFC0  }
0x13: {  	[tilespmem:s15], [sflag:$0x3] =	stream.linear.gather [hbm4b:s3+s8], $0x40, $0x38;
	[tilespmem:$0x10680] =	vst v63  }
0x14: {  	_ =	swait.ge [sflag:s14], $0x40  }
0x15: {  	[sflag:s14] =	ssyncset.done $0x0  }
0x16: {  	[sflag:s14] =	ssyncadd.s32 $0xFFFFFFC0  }
0x17: {  	v5 =	vld [tilespmem:$0x10400]  }
0x18: {  	v6 =	vld [tilespmem:$0x10410]  }
0x19: {  	v7 =	vld [tilespmem:$0x10420]  }
0x1a: {  	v8 =	vld [tilespmem:$0x10430]  }
0x1b: {  	v9 =	vld [tilespmem:$0x10440]  }
0x1c: {  	v10 =	vld [tilespmem:$0x10450]  }
0x1d: {  	v11 =	vld [tilespmem:$0x10460]  }
0x1e: {  	v12 =	vld [tilespmem:$0x10470];
	[tilespmem:s8], [sflag:$0x3] =	stream.linear.gather [hbm4b:s10+s8], $0x200, $0x38  }
0x1f: {  	_ =	swait.ge [sflag:s14], $0x200  }
0x20: {  	[sflag:s14] =	ssyncset.done $0x0  }
0x21: {  	s23 =	simm.s32 $0x0;
	[sflag:s14] =	ssyncadd.s32 $0xFFFFFE00  }
0x22: {  	[tilespmem:s17], [sflag:$0x1] =	stream.indirect.gather [hbm4b:s9+s16], $0x40, s8, s16, $0xb8;
	[tilespmem:$0x10680] =	vst v63  }
.LBB2_2:
0x23: {  	s26 =	sshll.u32 s23, $0xA  }
0x24: {  	s24 =	sadd.s32 s26, s7  }
0x25: {  	s25 =	sadd.s32 $0x200, s24  }
0x26: {  	s24 =	sshrl.u32 s25, $0x3  }
0x27: {  	s28 =	sadd.s32 s0, s24  }
0x28: {  	[tilespmem:s16], [sflag:$0x3] =	stream.linear.gather [hbm4b:s28+s8], $0x200, $0x38;
	[tilespmem:$0x10680] =	vst v63  }
0x29: {  	_ =	swait.ge [sflag:s14], $0x200  }
0x2a: {  	[sflag:s14] =	ssyncset.done $0x0  }
0x2b: {  	[sflag:s14] =	ssyncadd.s32 $0xFFFFFE00  }
0x2c: {  	[tilespmem:s18], [sflag:$0x2] =	stream.indirect.gather [hbm4b:s9+s16], $0x40, s16, s16, $0xb8;
	[tilespmem:$0x10680] =	vst v63  }
0x2d: {  	_ =	swait.ge [sflag:s19], $0x8000  }
0x2e: {  	[sflag:s19] =	ssyncset.done $0x0  }
0x2f: {  	s28 =	simm.s32 $0x20;
	[sflag:s19] =	ssyncadd.s32 $0xFFFF8000  }
0x30: {  	v13 =	vld [tilespmem:s28+$0xFFFFFFE0]  }
0x31: {  	v15 =	vld [tilespmem:s28+$0x10]  }
0x32: {  	v16 =	vld [tilespmem:s28+$0x0]  }
0x33: {  	v17 =	vld [tilespmem:s28+$0xFFFFFFF0];
	_ =	sdelay $0x1  }
0x34: {  	s30 =	simm.s32 $0x60;
	vm0 =	vgt.s32 v13, $0x0  }
0x35: {  	s29 =	simm.s32 $0x104A0;
	v14 =	vld [tilespmem:s30+$0xFFFFFFE0];
	vm14 =	vgt.s32 v15, $0x0;
	v18 =	vsel vm0, $0x1, v0  }
0x36: {  	v13 =	vld [tilespmem:s30+$0x10];
	vm1 =	vgt.s32 v16, $0x0;
	v16 =	vsel vm14, $0x1, v0;
	[tilespmem:s29+$0xFFFFFFE0] =	vst v18  }
0x37: {  	v15 =	vld [tilespmem:s30+$0x0];
	vm15 =	vgt.s32 v17, $0x0;
	v18 =	vsel vm1, $0x1, v0;
	[tilespmem:s29+$0x10] =	vst v16  }
0x38: {  	s31 =	simm.s32 $0x4;
	v17 =	vsel vm15, $0x1, v0;
	v16 =	vld [tilespmem:s30+$0xFFFFFFF0];
	[tilespmem:s29+$0x0] =	vst v18  }
.LBB2_3:
0x39: {  	s31 =	sadd.s32 $0x4, s31  }
0x3a: {  	[tilespmem:s29+$0xFFFFFFF0] =	vst v17;
	s29 =	sadd.s32 $0x40, s29;
	s28 =	simm.s32 $0x480;
	p0 =	slt.u32 s31, $0x1C  }
.Ltmp0:
0x3b: {  	s30 =	sadd.s32 $0x40, s30;
	vm0 =	vgt.s32 v14, $0x0;
	(pc) =	sbr.rel @p0 .LBB2_3-.Ltmp0, $4  }
0x3c: {  	v14 =	vld [tilespmem:s30+$0xFFFFFFE0];
	v17 =	vsel vm0, $0x1, v0;
	vm0 =	vgt.s32 v13, $0x0  }
0x3d: {  	v13 =	vld [tilespmem:s30+$0x10];
	[tilespmem:s29+$0xFFFFFFE0] =	vst v17;
	vm1 =	vgt.s32 v15, $0x0;
	v17 =	vsel vm0, $0x1, v0  }
0x3e: {  	v15 =	vld [tilespmem:s30+$0x0];
	vm0 =	vgt.s32 v16, $0x0;
	v18 =	vsel vm1, $0x1, v0;
	[tilespmem:s29+$0x10] =	vst v17  }
0x3f: {  	v16 =	vld [tilespmem:s30+$0xFFFFFFF0];
	v17 =	vsel vm0, $0x1, v0;
	[tilespmem:s29+$0x0] =	vst v18  }
0x40: {  	_ = 	snop  }
0x41: {  	vm0 =	vgt.s32 v14, $0x0  }
0x42: {  	[tilespmem:s29+$0xFFFFFFF0] =	vst v17;
	s29 =	sadd.s32 $0x40, s29;
	v14 =	vsel vm0, $0x1, v0;
	vm14 =	vgt.s32 v13, $0x0  }
0x43: {  	[tilespmem:s29+$0xFFFFFFE0] =	vst v14;
	vm1 =	vgt.s32 v15, $0x0;
	v13 =	vsel vm14, $0x1, v0  }
0x44: {  	vm15 =	vgt.s32 v16, $0x0;
	v14 =	vsel vm1, $0x1, v0;
	[tilespmem:s29+$0x10] =	vst v13  }
0x45: {  	v13 =	vsel vm15, $0x1, v0;
	[tilespmem:s29+$0x0] =	vst v14  }
0x46: {  	[tilespmem:s29+$0xFFFFFFF0] =	vst v13  }
0x47: {  	v18 =	vld [tilespmem:s28+$0x40]  }
0x48: {  	v14 =	vld [tilespmem:s28+$0x50]  }
0x49: {  	v13 =	vld [tilespmem:s28+$0x60]  }
0x4a: {  	v27 =	vld [tilespmem:s28+$0x70]  }
0x4b: {  	v26 =	vld [tilespmem:s28+$0xFFFFFF90]  }
0x4c: {  	v22 =	vld [tilespmem:s28+$0xFFFFFFA0]  }
0x4d: {  	v23 =	vld [tilespmem:s28+$0xFFFFFFB0]  }
0x4e: {  	v17 =	vld [tilespmem:s28+$0xFFFFFFC0]  }
0x4f: {  	v16 =	vld [tilespmem:s28+$0xFFFFFFD0]  }
0x50: {  	v15 =	vld [tilespmem:s28+$0xFFFFFFE0]  }
0x51: {  	v19 =	vld [tilespmem:s28+$0xFFFFFFF0]  }
0x52: {  	v38 =	vld [tilespmem:s28+$0xFFFFFF80]  }
0x53: {  	v20 =	vadd.f32 v14, v18;
	v24 =	vmul.f32 v18, v18;
	v25 =	vmul.f32 v14, v14  }
0x54: {  	v21 =	vadd.f32 v27, v13;
	v28 =	vmul.f32 v13, v13;
	v29 =	vmul.f32 v27, v27  }
0x55: {  	v30 =	vmul.f32 v26, v26;
	v32 =	vmul.f32 v22, v22;
	v33 =	vadd.f32 v23, v22  }
0x56: {  	v34 =	vmul.f32 v17, v17;
	v35 =	vadd.f32 v16, v17;
	v49 =	vmul.f32 v16, v16  }
0x57: {  	v37 =	vmul.f32 v15, v15;
	v39 =	vadd.f32 v19, v15;
	v44 =	vadd.f32 v26, v38  }
0x58: {  	v45 =	vmul.f32 v38, v38;
	v31 =	vadd.f32 v21, v20;
	v25 =	vadd.f32 v25, v24  }
0x59: {  	v28 =	vadd.f32 v29, v28;
	v29 =	vmul.f32 v23, v23;
	v35 =	vadd.f32 v39, v35  }
0x5a: {  	v51 =	vmul.f32 v19, v19;
	v20 =	vld [tilespmem:s28+$0x0];
	v33 =	vadd.f32 v33, v44;
	v30 =	vadd.f32 v30, v45  }
0x5b: {  	v24 =	vld [tilespmem:s28+$0x10];
	v28 =	vadd.f32 v28, v25;
	v36 =	vperm.xlane v31, v1;
	v29 =	vadd.f32 v29, v32  }
0x5c: {  	v21 =	vld [tilespmem:s28+$0x20];
	v32 =	vadd.f32 v49, v34;
	v34 =	vadd.f32 v51, v37  }
0x5d: {  	v25 =	vld [tilespmem:s28+$0x30];
	v56 =	vperm.xlane v35, v1;
	v58 =	vperm.xlane v33, v1;
	v31 =	vadd.f32 v31, v36  }
0x5e: {  	v29 =	vadd.f32 v29, v30;
	v32 =	vadd.f32 v34, v32  }
0x5f: {  	v50 =	vperm.xlane v28, v1;
	v62 =	vadd.f32 v33, v58;
	v35 =	vadd.f32 v35, v56  }
0x60: {  	v40 =	vmul.f32 v20, v20;
	v41 =	vadd.f32 v24, v20;
	v53 =	vmul.f32 v24, v24  }
0x61: {  	v42 =	vmul.f32 v21, v21;
	v28 =	vadd.f32 v28, v50;
	v52 =	vperm.xlane v31, v2  }
0x62: {  	v63 =	vperm.xlane v29, v1;
	v45 =	vperm.xlane v35, v2;
	v43 =	vadd.f32 v25, v21  }
0x63: {  	v46 =	vmul.f32 v25, v25;
	v39 =	vadd.f32 v53, v40;
	v31 =	vadd.f32 v52, v31  }
0x64: {  	v54 =	vperm.xlane v28, v2;
	v29 =	vadd.f32 v29, v63;
	v35 =	vadd.f32 v45, v35  }
0x65: {  	v41 =	vadd.f32 v43, v41;
	v59 =	vadd.f32 v46, v42  }
0x66: {  	v43 =	vperm.xlane v32, v1;
	v28 =	vadd.f32 v54, v28;
	v55 =	vperm.xlane v31, v3  }
0x67: {  	v47 =	vperm.xlane v29, v2;
	v51 =	vperm.xlane v35, v3;
	v60 =	vadd.f32 v59, v39  }
0x68: {  	v61 =	vperm.xlane v41, v1;
	v32 =	vadd.f32 v32, v43;
	v31 =	vadd.f32 v55, v31  }
0x69: {  	v57 =	vperm.xlane v28, v3;
	v29 =	vadd.f32 v47, v29;
	v35 =	vadd.f32 v51, v35  }
0x6a: {  	v36 =	vadd.f32 v41, v61;
	v48 =	vperm.xlane v32, v2;
	v30 =	vperm.xlane v31, v4  }
0x6b: {  	v28 =	vadd.f32 v57, v28;
	v53 =	vperm.xlane v29, v3;
	v58 =	vperm.xlane v35, v4  }
0x6c: {  	v46 =	vperm.xlane v36, v2;
	v32 =	vadd.f32 v48, v32;
	v30 =	vadd.f32 v30, v31  }
0x6d: {  	v31 =	vperm.xlane v28, v4;
	v29 =	vadd.f32 v53, v29;
	v35 =	vadd.f32 v58, v35  }
0x6e: {  	v34 =	vadd.f32 v46, v36;
	v55 =	vperm.xlane v32, v3;
	v33 =	vmul.f32 $1.562500000e-02, v30  }
0x6f: {  	v28 =	vadd.f32 v31, v28;
	v30 =	vperm.xlane v62, v2;
	v31 =	vperm.xlane v60, v1  }
0x70: {  	v59 =	vperm.xlane v29, v4;
	v35 =	vmul.f32 $1.562500000e-02, v35;
	v32 =	vadd.f32 v55, v32  }
0x71: {  	v28 =	vmul.f32 $1.562500000e-02, v28;
	v44 =	vmul.f32 v33, v33;
	v31 =	vadd.f32 v60, v31  }
0x72: {  	v54 =	vperm.xlane v34, v3;
	v30 =	vadd.f32 v30, v62;
	v29 =	vadd.f32 v59, v29  }
0x73: {  	v27 =	vsub.f32 v27, v33;
	v28 =	vsub.f32 v28, v44;
	v49 =	vperm.xlane v31, v2  }
0x74: {  	v34 =	vadd.f32 v54, v34;
	v61 =	vperm.xlane v32, v4;
	v50 =	vperm.xlane v30, v3  }
0x75: {  	v48 =	vmul.f32 v35, v35;
	v28 =	vadd.f32 $9.999999740e-06, v28;
	v31 =	vadd.f32 v49, v31  }
0x76: {  	v60 =	vperm.xlane v34, v4;
	v32 =	vadd.f32 v61, v32;
	v30 =	vadd.f32 v50, v30  }
0x77: {  	v52 =	vshrl.u32 v28, $0x1;
	v28 =	vmul.f32 $5.000000000e-01, v28;
	v56 =	vperm.xlane v31, v3  }
0x78: {  	v34 =	vadd.f32 v60, v34;
	v57 =	vperm.xlane v30, v4;
	v36 =	vsub.s32 $0x5F3759DF, v52  }
0x79: {  	v14 =	vsub.f32 v14, v33;
	v28 =	vmul.f32 v36, v28;
	v31 =	vadd.f32 v56, v31  }
0x7a: {  	v32 =	vmul.f32 $1.562500000e-02, v32;
	v63 =	vmul.f32 $1.562500000e-02, v34;
	v30 =	vadd.f32 v57, v30  }
0x7b: {  	v13 =	vsub.f32 v13, v33;
	v28 =	vmul.f32 v36, v28;
	v62 =	vperm.xlane v31, v4  }
0x7c: {  	v29 =	vmul.f32 $1.562500000e-02, v29;
	v32 =	vsub.f32 v32, v48;
	v30 =	vmul.f32 $1.562500000e-02, v30  }
0x7d: {  	v49 =	vmul.f32 v63, v63;
	v31 =	vadd.f32 v62, v31;
	v28 =	vsub.f32 $1.500000000e+00, v28  }
0x7e: {  	v47 =	vmul.f32 v30, v30;
	v51 =	vsub.f32 v38, v30;
	v26 =	vsub.f32 v26, v30  }
0x7f: {  	v22 =	vsub.f32 v22, v30;
	v23 =	vsub.f32 v23, v30;
	v31 =	vmul.f32 $1.562500000e-02, v31  }
0x80: {  	v29 =	vsub.f32 v29, v47;
	v50 =	vmul.f32 v36, v28;
	v28 =	vadd.f32 $9.999999740e-06, v32  }
0x81: {  	v30 =	vsub.f32 v17, v35;
	v31 =	vsub.f32 v31, v49  }
0x82: {  	v29 =	vadd.f32 $9.999999740e-06, v29;
	v53 =	vshrl.u32 v28, $0x1;
	v28 =	vmul.f32 $5.000000000e-01, v28  }
0x83: {  	v40 =	vmul.f32 v50, v27;
	v36 =	vsub.s32 $0x5F3759DF, v53;
	v31 =	vadd.f32 $9.999999740e-06, v31  }
0x84: {  	v52 =	vshrl.u32 v29, $0x1;
	v29 =	vmul.f32 $5.000000000e-01, v29;
	v28 =	vmul.f32 v36, v28  }
0x85: {  	v34 =	vsub.s32 $0x5F3759DF, v52;
	v54 =	vshrl.u32 v31, $0x1;
	v31 =	vmul.f32 $5.000000000e-01, v31  }
0x86: {  	v29 =	vmul.f32 v34, v29;
	v17 =	vmul.f32 v36, v28;
	v38 =	vsub.s32 $0x5F3759DF, v54  }
0x87: {  	v14 =	vmul.f32 v50, v14;
	v31 =	vmul.f32 v38, v31  }
0x88: {  	s29 =	simm.s32 $0x580;
	v13 =	vmul.f32 v50, v13;
	v29 =	vmul.f32 v34, v29;
	v17 =	vsub.f32 $1.500000000e+00, v17  }
0x89: {  	v32 =	vld [tilespmem:s29+$0xFFFFFF90];
	v40 =	vmul.f32 v40, v8;
	v28 =	vmul.f32 v38, v31  }
0x8a: {  	v31 =	vsub.f32 v16, v35;
	v16 =	vsub.f32 $1.500000000e+00, v29;
	v55 =	vmul.f32 v36, v17  }
0x8b: {  	v19 =	vsub.f32 v19, v35;
	v14 =	vmul.f32 v14, v6;
	v13 =	vmul.f32 v13, v7  }
0x8c: {  	v27 =	vsub.f32 $1.500000000e+00, v28;
	v29 =	vmul.f32 v34, v16;
	v45 =	vmul.f32 v55, v30  }
0x8d: {  	v17 =	vld [tilespmem:s29+$0x60];
	v46 =	vmul.f32 v55, v31;
	v36 =	vmul.f32 v55, v19  }
0x8e: {  	v28 =	vsub.f32 v15, v35;
	v35 =	vmul.f32 v32, v32;
	v27 =	vmul.f32 v38, v27  }
0x8f: {  	v20 =	vsub.f32 v20, v63;
	v41 =	vmul.f32 v29, v51;
	v42 =	vmul.f32 v29, v26  }
0x90: {  	v56 =	vsub.f32 v24, v63;
	v43 =	vmul.f32 v29, v22;
	v44 =	vmul.f32 v29, v23  }
0x91: {  	v21 =	vsub.f32 v21, v63;
	v15 =	vld [tilespmem:s29+$0x40];
	v37 =	vmul.f32 v55, v28;
	v45 =	vmul.f32 v45, v5  }
0x92: {  	v16 =	vld [tilespmem:s29+$0x50];
	v22 =	vsub.f32 v25, v63;
	v46 =	vmul.f32 v46, v6;
	v57 =	vmul.f32 v17, v17  }
0x93: {  	v34 =	vld [tilespmem:s29+$0x70];
	v24 =	vmul.f32 v27, v20;
	v31 =	vmul.f32 v27, v56  }
0x94: {  	v30 =	vmul.f32 v27, v21;
	v28 =	vmul.f32 v27, v22  }
0x95: {  	v53 =	vld [tilespmem:s29+$0xFFFFFF80];
	v40 =	vadd.f32 v40, v12;
	v41 =	vmul.f32 v41, v5;
	v42 =	vmul.f32 v42, v6  }
0x96: {  	v19 =	vld [tilespmem:s29+$0xFFFFFFD0];
	v23 =	vsub.f32 v18, v33;
	v43 =	vmul.f32 v43, v7;
	v44 =	vmul.f32 v44, v8  }
0x97: {  	v29 =	vld [tilespmem:s29+$0xFFFFFFA0];
	v37 =	vmul.f32 v37, v7;
	v45 =	vadd.f32 v45, v9;
	v46 =	vadd.f32 v46, v10  }
0x98: {  	v18 =	vld [tilespmem:s29+$0xFFFFFFC0];
	v20 =	vadd.f32 v16, v15;
	v21 =	vadd.f32 v34, v17;
	v25 =	vmul.f32 v15, v15  }
0x99: {  	v27 =	vld [tilespmem:s29+$0xFFFFFFB0];
	v26 =	vmul.f32 v16, v16;
	v41 =	vadd.f32 v41, v9;
	v42 =	vadd.f32 v42, v10  }
0x9a: {  	v22 =	vld [tilespmem:s29+$0xFFFFFFE0];
	v58 =	vmul.f32 v34, v34;
	v43 =	vadd.f32 v43, v11;
	v44 =	vadd.f32 v44, v12  }
0x9b: {  	v33 =	vmul.f32 v50, v23;
	v23 =	vld [tilespmem:s29+$0x0];
	v37 =	vadd.f32 v37, v11;
	v47 =	vadd.f32 v21, v20  }
0x9c: {  	v52 =	vmul.f32 v19, v19;
	v21 =	vadd.f32 v26, v25;
	v26 =	vadd.f32 v58, v57  }
0x9d: {  	v20 =	vld [tilespmem:s29+$0xFFFFFFF0];
	v59 =	vmul.f32 v29, v29;
	v50 =	vmul.f32 v18, v18;
	v51 =	vadd.f32 v19, v18  }
0x9e: {  	v25 =	vld [tilespmem:s29+$0x10];
	v58 =	vmul.f32 v53, v53;
	v60 =	vmul.f32 v27, v27;
	v48 =	vadd.f32 v26, v21  }
0x9f: {  	v26 =	vperm.xlane v47, v1;
	v49 =	vadd.f32 v27, v29;
	v39 =	vmul.f32 v22, v22  }
0xa0: {  	v50 =	vadd.f32 v52, v50;
	v56 =	vmul.f32 v23, v23;
	v35 =	vadd.f32 v35, v58  }
0xa1: {  	v21 =	vld [tilespmem:s29+$0x20];
	v47 =	vadd.f32 v47, v26;
	v54 =	vperm.xlane v48, v1;
	v38 =	vadd.f32 v60, v59  }
0xa2: {  	v26 =	vld [tilespmem:s29+$0x30];
	v60 =	vadd.f32 v32, v53;
	v55 =	vadd.f32 v20, v22;
	v62 =	vmul.f32 v20, v20  }
0xa3: {  	v57 =	vadd.f32 v25, v23;
	v48 =	vadd.f32 v48, v54;
	v61 =	vperm.xlane v47, v2  }
0xa4: {  	v54 =	vmul.f32 v25, v25;
	v49 =	vadd.f32 v49, v60;
	v38 =	vadd.f32 v38, v35  }
0xa5: {  	v51 =	vadd.f32 v55, v51;
	v39 =	vadd.f32 v62, v39;
	v55 =	vmul.f32 v24, v5  }
0xa6: {  	v47 =	vadd.f32 v61, v47;
	v63 =	vperm.xlane v48, v2;
	v54 =	vadd.f32 v54, v56  }
0xa7: {  	v58 =	vperm.xlane v38, v1;
	v56 =	vmul.f32 v33, v5;
	v61 =	vadd.f32 v26, v21  }
0xa8: {  	v60 =	vmul.f32 v26, v26;
	v39 =	vadd.f32 v39, v50;
	v48 =	vadd.f32 v63, v48  }
0xa9: {  	v62 =	vperm.xlane v47, v3;
	v63 =	vmul.f32 v21, v21;
	v38 =	vadd.f32 v38, v58  }
0xaa: {  	v52 =	vadd.f32 v61, v57;
	v59 =	vperm.xlane v39, v1;
	v61 =	vperm.xlane v48, v3  }
0xab: {  	v47 =	vadd.f32 v62, v47;
	v62 =	vadd.f32 v60, v63;
	v63 =	vperm.xlane v49, v1  }
0xac: {  	v58 =	vperm.xlane v38, v2;
	v39 =	vadd.f32 v39, v59;
	v48 =	vadd.f32 v61, v48  }
0xad: {  	v60 =	vperm.xlane v47, v4;
	v61 =	vperm.xlane v51, v1;
	v54 =	vadd.f32 v62, v54  }
0xae: {  	v62 =	vperm.xlane v52, v1;
	v49 =	vadd.f32 v49, v63;
	v38 =	vadd.f32 v58, v38  }
0xaf: {  	v59 =	vperm.xlane v39, v2;
	v63 =	vadd.f32 v60, v47;
	v57 =	vperm.xlane v48, v4  }
0xb0: {  	v50 =	vadd.f32 v51, v61;
	v52 =	vadd.f32 v52, v62;
	v60 =	vperm.xlane v49, v2  }
0xb1: {  	v61 =	vperm.xlane v54, v1;
	v39 =	vadd.f32 v59, v39;
	v35 =	vmul.f32 $1.562500000e-02, v63  }
0xb2: {  	v47 =	vadd.f32 v57, v48;
	v63 =	vperm.xlane v50, v2;
	v57 =	vperm.xlane v52, v2  }
0xb3: {  	v51 =	vadd.f32 v54, v61;
	v54 =	vmul.f32 v31, v6;
	v58 =	vperm.xlane v39, v3  }
0xb4: {  	v48 =	vadd.f32 v60, v49;
	v47 =	vmul.f32 $1.562500000e-02, v47;
	v62 =	vmul.f32 v35, v35  }
0xb5: {  	v50 =	vadd.f32 v63, v50;
	v49 =	vadd.f32 v57, v52;
	v60 =	vperm.xlane v51, v2  }
0xb6: {  	v61 =	vperm.xlane v48, v3;
	v34 =	vsub.f32 v34, v35;
	v15 =	vsub.f32 v15, v35  }
0xb7: {  	v57 =	vperm.xlane v38, v3;
	v39 =	vadd.f32 v58, v39;
	v47 =	vsub.f32 v47, v62  }
0xb8: {  	v51 =	vadd.f32 v60, v51;
	v62 =	vperm.xlane v50, v3;
	v48 =	vadd.f32 v61, v48  }
0xb9: {  	v63 =	vperm.xlane v49, v3;
	v38 =	vadd.f32 v57, v38;
	v47 =	vadd.f32 $9.999999740e-06, v47  }
0xba: {  	v50 =	vadd.f32 v62, v50;
	v59 =	vperm.xlane v51, v3;
	v61 =	vperm.xlane v48, v4  }
0xbb: {  	v49 =	vadd.f32 v63, v49;
	v58 =	vperm.xlane v38, v4;
	v60 =	vshrl.u32 v47, $0x1  }
0xbc: {  	v47 =	vmul.f32 $5.000000000e-01, v47;
	v51 =	vadd.f32 v59, v51;
	v48 =	vadd.f32 v61, v48  }
0xbd: {  	v62 =	vperm.xlane v50, v4;
	v63 =	vperm.xlane v49, v4;
	v52 =	vsub.s32 $0x5F3759DF, v60  }
0xbe: {  	v59 =	vperm.xlane v39, v4;
	v38 =	vadd.f32 v58, v38;
	v47 =	vmul.f32 v52, v47  }
0xbf: {  	v50 =	vadd.f32 v62, v50;
	v57 =	vadd.f32 v63, v49;
	v60 =	vperm.xlane v51, v4  }
0xc0: {  	v48 =	vmul.f32 $1.562500000e-02, v48;
	v39 =	vadd.f32 v59, v39;
	v47 =	vmul.f32 v52, v47  }
0xc1: {  	v38 =	vmul.f32 $1.562500000e-02, v38;
	v50 =	vmul.f32 $1.562500000e-02, v50;
	v49 =	vadd.f32 v60, v51  }
0xc2: {  	v61 =	vmul.f32 v48, v48;
	v39 =	vmul.f32 $1.562500000e-02, v39;
	v24 =	vsub.f32 $1.500000000e+00, v47  }
0xc3: {  	v32 =	vsub.f32 v32, v48;
	v47 =	vmul.f32 $1.562500000e-02, v57;
	v62 =	vmul.f32 v50, v50  }
0xc4: {  	v29 =	vsub.f32 v29, v48;
	v49 =	vmul.f32 $1.562500000e-02, v49;
	v24 =	vmul.f32 v52, v24  }
0xc5: {  	v38 =	vsub.f32 v38, v61;
	v52 =	vsub.f32 v53, v48;
	v63 =	vmul.f32 v47, v47  }
0xc6: {  	v53 =	vsub.f32 v39, v62;
	v39 =	vmul.f32 v30, v7;
	v34 =	vmul.f32 v24, v34  }
0xc7: {  	v30 =	vsub.f32 v49, v63;
	v49 =	vmul.f32 v28, v8;
	v28 =	vadd.f32 $9.999999740e-06, v38  }
0xc8: {  	v27 =	vsub.f32 v27, v48;
	v18 =	vsub.f32 v18, v50;
	v34 =	vmul.f32 v34, v8  }
0xc9: {  	v30 =	vadd.f32 $9.999999740e-06, v30;
	v57 =	vshrl.u32 v28, $0x1;
	v28 =	vmul.f32 $5.000000000e-01, v28  }
0xca: {  	v33 =	vsub.s32 $0x5F3759DF, v57;
	v31 =	vadd.f32 v34, v12;
	v34 =	vadd.f32 $9.999999740e-06, v53  }
0xcb: {  	v59 =	vshrl.u32 v30, $0x1;
	v30 =	vmul.f32 $5.000000000e-01, v30;
	v28 =	vmul.f32 v33, v28  }
0xcc: {  	v51 =	vsub.s32 $0x5F3759DF, v59;
	v58 =	vshrl.u32 v34, $0x1;
	v34 =	vmul.f32 $5.000000000e-01, v34  }
0xcd: {  	v30 =	vmul.f32 v51, v30;
	v28 =	vmul.f32 v33, v28;
	v48 =	vsub.s32 $0x5F3759DF, v58  }
0xce: {  	[tilespmem:s28+$0x70] =	vst v40;
	v19 =	vsub.f32 v19, v50;
	v22 =	vsub.f32 v22, v50;
	v34 =	vmul.f32 v48, v34  }
0xcf: {  	[tilespmem:s28+$0xFFFFFFC0] =	vst v45;
	v60 =	vsub.f32 v23, v47;
	v30 =	vmul.f32 v51, v30;
	v23 =	vsub.f32 $1.500000000e+00, v28  }
0xd0: {  	[tilespmem:s28+$0xFFFFFFD0] =	vst v46;
	v20 =	vsub.f32 v20, v50;
	v25 =	vsub.f32 v25, v47;
	v34 =	vmul.f32 v48, v34  }
0xd1: {  	[tilespmem:s28+$0xFFFFFF80] =	vst v41;
	v61 =	vsub.f32 v21, v47;
	v30 =	vsub.f32 $1.500000000e+00, v30;
	v21 =	vmul.f32 v33, v23  }
0xd2: {  	v36 =	vmul.f32 v36, v8;
	[tilespmem:s28+$0xFFFFFF90] =	vst v42;
	v26 =	vsub.f32 v26, v47;
	v28 =	vsub.f32 $1.500000000e+00, v34  }
0xd3: {  	[tilespmem:s28+$0xFFFFFFA0] =	vst v43;
	v63 =	vsub.f32 v16, v35;
	v62 =	vmul.f32 v51, v30;
	v33 =	vmul.f32 v21, v52  }
0xd4: {  	[tilespmem:s28+$0xFFFFFFB0] =	vst v44;
	v30 =	vmul.f32 v21, v27;
	v27 =	vadd.f32 v36, v12;
	v28 =	vmul.f32 v48, v28  }
0xd5: {  	v16 =	vsub.f32 v17, v35;
	[tilespmem:s29+$0x70] =	vst v31;
	v32 =	vmul.f32 v21, v32;
	v17 =	vmul.f32 v21, v29  }
0xd6: {  	[tilespmem:s28+$0xFFFFFFF0] =	vst v27;
	v27 =	vmul.f32 v24, v15;
	v31 =	vmul.f32 v28, v18;
	v18 =	vadd.f32 v55, v9  }
0xd7: {  	[tilespmem:s28+$0xFFFFFFE0] =	vst v37;
	v23 =	vmul.f32 v28, v19;
	v21 =	vmul.f32 v28, v20;
	v20 =	vadd.f32 v54, v10  }
0xd8: {  	v29 =	vmul.f32 v28, v22;
	v28 =	vmul.f32 v62, v60;
	[tilespmem:s28+$0x0] =	vst v18;
	v18 =	vadd.f32 v39, v11  }
0xd9: {  	v22 =	vmul.f32 v62, v25;
	v19 =	vmul.f32 v62, v61;
	[tilespmem:s28+$0x10] =	vst v20;
	v20 =	vadd.f32 v49, v12  }
0xda: {  	s30 =	simm.s32 $0x4;
	s31 =	simm.s32 $0x680;
	v25 =	vmul.f32 v62, v26;
	v26 =	vmul.f32 v24, v63;
	[tilespmem:s28+$0x20] =	vst v18;
	v18 =	vadd.f32 v56, v9  }
.LBB2_5:
0xdb: {  	v15 =	vld [tilespmem:s31+$0x40];
	v33 =	vmul.f32 v33, v5;
	v24 =	vmul.f32 v24, v16;
	[tilespmem:s28+$0x30] =	vst v20;
	v14 =	vadd.f32 v14, v10  }
0xdc: {  	v20 =	vmul.f32 v32, v6;
	v34 =	vmul.f32 v17, v7;
	v13 =	vadd.f32 v13, v11;
	v16 =	vld [tilespmem:s31+$0x50];
	[tilespmem:s28+$0x40] =	vst v18  }
0xdd: {  	v30 =	vmul.f32 v30, v8;
	v31 =	vmul.f32 v31, v5;
	v17 =	vld [tilespmem:s31+$0x60];
	v18 =	vadd.f32 v33, v9;
	[tilespmem:s28+$0x50] =	vst v14  }
0xde: {  	v35 =	vmul.f32 v29, v7;
	v14 =	vadd.f32 v20, v10;
	v33 =	vmul.f32 v23, v6;
	v36 =	vld [tilespmem:s31+$0x70];
	[tilespmem:s28+$0x60] =	vst v13;
	s28 =	smov.u32 s29;
	s29 =	smov.u32 s31  }
0xdf: {  	s30 =	sadd.s32 $0x4, s30;
	v23 =	vmul.f32 v21, v8;
	v21 =	vmul.f32 v28, v5;
	v13 =	vadd.f32 v34, v11;
	v32 =	vld [tilespmem:s31+$0xFFFFFF90];
	[tilespmem:s28+$0xFFFFFF80] =	vst v18  }
0xe0: {  	v22 =	vmul.f32 v22, v6;
	v19 =	vmul.f32 v19, v7;
	p0 =	slt.u32 s30, $0x1FC;
	v28 =	vld [tilespmem:s31+$0xFFFFFFA0];
	[tilespmem:s28+$0xFFFFFF90] =	vst v14;
	v14 =	vadd.f32 v30, v12  }
0xe1: {  	v20 =	vmul.f32 v25, v8;
	v18 =	vmul.f32 v27, v5;
	v30 =	vadd.f32 v31, v9;
	v29 =	vld [tilespmem:s31+$0xFFFFFFB0];
	[tilespmem:s28+$0xFFFFFFA0] =	vst v13  }
0xe2: {  	v31 =	vadd.f32 v16, v15;
	v13 =	vmul.f32 v24, v7;
	v25 =	vld [tilespmem:s31+$0xFFFFFFC0];
	[tilespmem:s28+$0xFFFFFFB0] =	vst v14;
	v14 =	vmul.f32 v26, v6  }
0xe3: {  	v34 =	vmul.f32 v15, v15;
	v37 =	vmul.f32 v16, v16;
	v26 =	vld [tilespmem:s31+$0xFFFFFFD0];
	v24 =	vadd.f32 v36, v17;
	[tilespmem:s28+$0xFFFFFFC0] =	vst v30  }
0xe4: {  	v33 =	vadd.f32 v33, v10;
	v38 =	vmul.f32 v17, v17;
	v39 =	vmul.f32 v36, v36;
	v27 =	vld [tilespmem:s31+$0xFFFFFFE0]  }
0xe5: {  	v40 =	vmul.f32 v32, v32;
	v41 =	vmul.f32 v28, v28;
	v30 =	vld [tilespmem:s31+$0xFFFFFFF0];
	v24 =	vadd.f32 v24, v31  }
0xe6: {  	v37 =	vadd.f32 v37, v34;
	v38 =	vadd.f32 v39, v38;
	v42 =	vmul.f32 v29, v29;
	v31 =	vld [tilespmem:s31+$0x0];
	[tilespmem:s28+$0xFFFFFFD0] =	vst v33  }
0xe7: {  	v44 =	vadd.f32 v35, v11;
	v39 =	vadd.f32 v29, v28;
	v43 =	vmul.f32 v25, v25;
	v34 =	vld [tilespmem:s31+$0x10]  }
0xe8: {  	v37 =	vadd.f32 v38, v37;
	v46 =	vperm.xlane v24, v1;
	v45 =	vadd.f32 v26, v25;
	v33 =	vld [tilespmem:s31+$0x20]  }
0xe9: {  	v41 =	vadd.f32 v42, v41;
	v42 =	vmul.f32 v26, v26;
	v47 =	vmul.f32 v27, v27;
	v35 =	vld [tilespmem:s31+$0x30];
	[tilespmem:s28+$0xFFFFFFE0] =	vst v44  }
0xea: {  	v24 =	vadd.f32 v24, v46;
	v46 =	vperm.xlane v37, v1;
	v38 =	vld [tilespmem:s31+$0xFFFFFF80];
	v44 =	vadd.f32 v30, v27  }
0xeb: {  	v42 =	vadd.f32 v42, v43;
	v43 =	vmul.f32 v30, v30;
	v48 =	vmul.f32 v31, v31  }
0xec: {  	v37 =	vadd.f32 v37, v46;
	v46 =	vperm.xlane v24, v2;
	v49 =	vadd.f32 v34, v31  }
0xed: {  	v44 =	vadd.f32 v44, v45;
	v45 =	vmul.f32 v34, v34;
	v50 =	vmul.f32 v33, v33  }
0xee: {  	v24 =	vadd.f32 v46, v24;
	v46 =	vperm.xlane v37, v2;
	v51 =	vadd.f32 v35, v33  }
0xef: {  	v54 =	vmul.f32 v35, v35;
	v52 =	vadd.f32 v32, v38;
	v53 =	vmul.f32 v38, v38  }
0xf0: {  	v43 =	vadd.f32 v43, v47;
	v37 =	vadd.f32 v46, v37;
	v46 =	vperm.xlane v24, v3  }
0xf1: {  	v47 =	vperm.xlane v44, v1;
	v39 =	vadd.f32 v39, v52;
	v40 =	vadd.f32 v40, v53  }
0xf2: {  	v49 =	vadd.f32 v51, v49;
	v24 =	vadd.f32 v46, v24;
	v46 =	vperm.xlane v37, v3  }
0xf3: {  	v45 =	vadd.f32 v45, v48;
	v48 =	vadd.f32 v54, v50;
	v51 =	vperm.xlane v39, v1  }
0xf4: {  	v40 =	vadd.f32 v41, v40;
	v37 =	vadd.f32 v46, v37;
	v41 =	vperm.xlane v24, v4  }
0xf5: {  	v42 =	vadd.f32 v43, v42;
	v43 =	vadd.f32 v48, v45;
	v45 =	vperm.xlane v49, v1  }
0xf6: {  	v39 =	vadd.f32 v39, v51;
	v24 =	vadd.f32 v41, v24;
	v41 =	vperm.xlane v37, v4  }
0xf7: {  	v44 =	vadd.f32 v44, v47;
	v47 =	vperm.xlane v42, v1;
	v46 =	vperm.xlane v40, v1  }
0xf8: {  	v45 =	vadd.f32 v49, v45;
	v41 =	vadd.f32 v41, v37;
	v37 =	vmul.f32 $1.562500000e-02, v24  }
0xf9: {  	v24 =	vadd.f32 v40, v46;
	v40 =	vperm.xlane v39, v2;
	v46 =	vperm.xlane v43, v1  }
0xfa: {  	v42 =	vadd.f32 v42, v47;
	v41 =	vmul.f32 $1.562500000e-02, v41;
	v47 =	vmul.f32 v37, v37  }
0xfb: {  	v48 =	vperm.xlane v44, v2;
	v43 =	vadd.f32 v43, v46;
	v46 =	vperm.xlane v45, v2  }
0xfc: {  	v39 =	vadd.f32 v40, v39;
	v40 =	vperm.xlane v24, v2;
	v41 =	vsub.f32 v41, v47  }
0xfd: {  	v44 =	vadd.f32 v48, v44;
	v47 =	vperm.xlane v42, v2;
	v45 =	vadd.f32 v46, v45  }
0xfe: {  	v24 =	vadd.f32 v40, v24;
	v40 =	vperm.xlane v43, v2;
	v41 =	vadd.f32 $9.999999740e-06, v41  }
0xff: {  	v46 =	vperm.xlane v39, v3;
	v42 =	vadd.f32 v47, v42;
	v47 =	vperm.xlane v44, v3  }
0x100: {  	v40 =	vadd.f32 v40, v43;
	v43 =	vshrl.u32 v41, $0x1;
	v41 =	vmul.f32 $5.000000000e-01, v41  }
0x101: {  	v39 =	vadd.f32 v46, v39;
	v46 =	vperm.xlane v45, v3;
	v43 =	vsub.s32 $0x5F3759DF, v43  }
0x102: {  	v48 =	vperm.xlane v24, v3;
	v44 =	vadd.f32 v47, v44;
	v41 =	vmul.f32 v43, v41  }
0x103: {  	v47 =	vperm.xlane v42, v3;
	v45 =	vadd.f32 v46, v45;
	v46 =	vperm.xlane v40, v3  }
0x104: {  	v48 =	vadd.f32 v48, v24;
	v24 =	vperm.xlane v39, v4;
	v41 =	vmul.f32 v43, v41  }
0x105: {  	v42 =	vadd.f32 v47, v42;
	v47 =	vperm.xlane v44, v4;
	v40 =	vadd.f32 v46, v40  }
0x106: {  	v39 =	vadd.f32 v24, v39;
	v24 =	vperm.xlane v45, v4;
	v41 =	vsub.f32 $1.500000000e+00, v41  }
0x107: {  	v46 =	vperm.xlane v48, v4;
	v44 =	vadd.f32 v47, v44;
	v47 =	vperm.xlane v42, v4  }
0x108: {  	v36 =	vsub.f32 v36, v37;
	v45 =	vadd.f32 v24, v45;
	v24 =	vmul.f32 v43, v41  }
0x109: {  	v39 =	vmul.f32 $1.562500000e-02, v39;
	v41 =	vadd.f32 v46, v48;
	v43 =	vperm.xlane v40, v4  }
0x10a: {  	v42 =	vadd.f32 v47, v42;
	v44 =	vmul.f32 $1.562500000e-02, v44;
	v36 =	vmul.f32 v24, v36  }
0x10b: {  	v41 =	vmul.f32 $1.562500000e-02, v41;
	v40 =	vadd.f32 v43, v40;
	v43 =	vmul.f32 $1.562500000e-02, v45  }
0x10c: {  	v38 =	vsub.f32 v38, v39;
	v45 =	vmul.f32 v39, v39;
	v36 =	vmul.f32 v36, v8  }
0x10d: {  	v32 =	vsub.f32 v32, v39;
	v42 =	vmul.f32 $1.562500000e-02, v42;
	v46 =	vmul.f32 v44, v44  }
0x10e: {  	v40 =	vmul.f32 $1.562500000e-02, v40;
	v47 =	vmul.f32 v43, v43;
	v36 =	vadd.f32 v36, v12  }
0x10f: {  	v42 =	vsub.f32 v42, v46;
	v41 =	vsub.f32 v41, v45  }
0x110: {  	v28 =	vsub.f32 v28, v39;
	v40 =	vsub.f32 v40, v47;
	[tilespmem:s31+$0x70] =	vst v36  }
0x111: {  	v36 =	vadd.f32 $9.999999740e-06, v41;
	v41 =	vadd.f32 $9.999999740e-06, v42  }
0x112: {  	v29 =	vsub.f32 v29, v39;
	v39 =	vadd.f32 $9.999999740e-06, v40  }
0x113: {  	v40 =	vshrl.u32 v36, $0x1;
	v36 =	vmul.f32 $5.000000000e-01, v36;
	v42 =	vshrl.u32 v41, $0x1  }
0x114: {  	v45 =	vshrl.u32 v39, $0x1;
	v39 =	vmul.f32 $5.000000000e-01, v39;
	v41 =	vmul.f32 $5.000000000e-01, v41  }
0x115: {  	v45 =	vsub.s32 $0x5F3759DF, v45;
	v40 =	vsub.s32 $0x5F3759DF, v40;
	v42 =	vsub.s32 $0x5F3759DF, v42  }
0x116: {  	v25 =	vsub.f32 v25, v44;
	v36 =	vmul.f32 v40, v36;
	v41 =	vmul.f32 v42, v41  }
0x117: {  	v26 =	vsub.f32 v26, v44;
	v27 =	vsub.f32 v27, v44;
	v39 =	vmul.f32 v45, v39  }
0x118: {  	v44 =	vsub.f32 v30, v44;
	v36 =	vmul.f32 v40, v36;
	v41 =	vmul.f32 v42, v41  }
0x119: {  	v34 =	vsub.f32 v34, v43;
	v30 =	vmul.f32 v45, v39;
	v39 =	vsub.f32 v31, v43  }
0x11a: {  	v31 =	vsub.f32 $1.500000000e+00, v36;
	v36 =	vsub.f32 $1.500000000e+00, v41  }
0x11b: {  	v30 =	vsub.f32 $1.500000000e+00, v30;
	v41 =	vsub.f32 v33, v43  }
0x11c: {  	v35 =	vsub.f32 v35, v43;
	v31 =	vmul.f32 v40, v31;
	v36 =	vmul.f32 v42, v36  }
0x11d: {  	v15 =	vsub.f32 v15, v37;
	v40 =	vmul.f32 v45, v30;
	v42 =	vsub.f32 v16, v37  }
0x11e: {  	v16 =	vsub.f32 v17, v37;
	v33 =	vmul.f32 v31, v38;
	v32 =	vmul.f32 v31, v32  }
0x11f: {  	v17 =	vmul.f32 v31, v28;
	v30 =	vmul.f32 v31, v29;
	v28 =	vadd.f32 v23, v12  }
.Ltmp1:
0x120: {  	v31 =	vmul.f32 v36, v25;
	v23 =	vmul.f32 v36, v26;
	v25 =	vadd.f32 v21, v9;
	(pc) =	sbr.rel @p0 .LBB2_5-.Ltmp1, $4  }
0x121: {  	v29 =	vmul.f32 v36, v27;
	v21 =	vmul.f32 v36, v44;
	v26 =	vadd.f32 v22, v10;
	[tilespmem:s28+$0xFFFFFFF0] =	vst v28  }
0x122: {  	v22 =	vmul.f32 v40, v34;
	v34 =	vadd.f32 v19, v11;
	v28 =	vmul.f32 v40, v39;
	[tilespmem:s28+$0x0] =	vst v25  }
0x123: {  	v20 =	vadd.f32 v20, v12;
	v19 =	vmul.f32 v40, v41;
	v25 =	vmul.f32 v40, v35;
	[tilespmem:s28+$0x10] =	vst v26  }
0x124: {  	v18 =	vadd.f32 v18, v9;
	s31 =	sadd.s32 $0x100, s31;
	v27 =	vmul.f32 v24, v15;
	v26 =	vmul.f32 v24, v42;
	[tilespmem:s28+$0x20] =	vst v34  }
0x125: {  	v15 =	vmul.f32 v33, v5;
	[tilespmem:s28+$0x30] =	vst v20;
	v14 =	vadd.f32 v14, v10  }
0x126: {  	v63 =	vmul.f32 v32, v6;
	v13 =	vadd.f32 v13, v11;
	[tilespmem:s28+$0x40] =	vst v18  }
0x127: {  	v17 =	vmul.f32 v17, v7;
	v15 =	vadd.f32 v15, v9;
	[tilespmem:s28+$0x50] =	vst v14  }
0x128: {  	v14 =	vmul.f32 v30, v8;
	v18 =	vadd.f32 v63, v10;
	[tilespmem:s28+$0x60] =	vst v13  }
0x129: {  	v13 =	vmul.f32 v31, v5;
	[tilespmem:s29+$0xFFFFFF80] =	vst v15;
	v15 =	vadd.f32 v17, v11  }
0x12a: {  	v17 =	vmul.f32 v23, v6;
	[tilespmem:s29+$0xFFFFFF90] =	vst v18;
	v14 =	vadd.f32 v14, v12  }
0x12b: {  	v18 =	vmul.f32 v29, v7;
	v13 =	vadd.f32 v13, v9;
	[tilespmem:s29+$0xFFFFFFA0] =	vst v15  }
0x12c: {  	v15 =	vmul.f32 v21, v8;
	[tilespmem:s29+$0xFFFFFFB0] =	vst v14;
	v14 =	vadd.f32 v17, v10  }
0x12d: {  	v17 =	vmul.f32 v28, v5;
	[tilespmem:s29+$0xFFFFFFC0] =	vst v13;
	v13 =	vadd.f32 v18, v11  }
0x12e: {  	v18 =	vmul.f32 v22, v6;
	[tilespmem:s29+$0xFFFFFFD0] =	vst v14;
	v14 =	vadd.f32 v15, v12  }
0x12f: {  	v15 =	vmul.f32 v19, v7;
	[tilespmem:s29+$0xFFFFFFE0] =	vst v13;
	v13 =	vadd.f32 v17, v9  }
0x130: {  	v17 =	vmul.f32 v25, v8;
	[tilespmem:s29+$0xFFFFFFF0] =	vst v14;
	v14 =	vadd.f32 v18, v10  }
0x131: {  	v16 =	vmul.f32 v24, v16;
	v18 =	vmul.f32 v27, v5;
	[tilespmem:s29+$0x0] =	vst v13;
	v13 =	vadd.f32 v15, v11  }
0x132: {  	v15 =	vmul.f32 v26, v6;
	[tilespmem:s29+$0x10] =	vst v14;
	v14 =	vadd.f32 v17, v12  }
0x133: {  	v16 =	vmul.f32 v16, v7;
	[tilespmem:s29+$0x20] =	vst v13;
	v13 =	vadd.f32 v18, v9  }
0x134: {  	[tilespmem:s29+$0x30] =	vst v14;
	v14 =	vadd.f32 v15, v10  }
0x135: {  	s28 =	sadd.s32 s7, s26;
	[tilespmem:s29+$0x40] =	vst v13;
	v13 =	vadd.f32 v16, v11  }
0x136: {  	s30 =	sshll.u32 s28, $0x3;
	[tilespmem:s29+$0x50] =	vst v14  }
0x137: {  	[tilespmem:s29+$0x60] =	vst v13;
	s29 =	sadd.s32 s4, s30  }
0x138: {  	[hbm4b:s29+s8] =	stream.linear.scatter [tilespmem:s17], [sflag:$0x3], $0x8000, $0x38;
	[tilespmem:$0x10680] =	vst v63  }
0x139: {  	_ =	swait.ge [sflag:s14], $0x8000  }
0x13a: {  	s28 =	sshrl.u32 s28, $0x3;
	[sflag:s14] =	ssyncset.done $0x0  }
0x13b: {  	p0 =	seq.s32 s23, $0x18;
	s28 =	sadd.s32 s6, s28;
	[sflag:s14] =	ssyncadd.s32 $0xFFFF8000  }
0x13c: {  	[hbm4b:s28+s8] =	stream.linear.scatter [tilespmem:s20], [sflag:$0x3], $0x200, $0x38;
	[tilespmem:$0x10680] =	vst v63  }
0x13d: {  	s26 =	sadd.s32 @!p0 s26, s11;
	_ =	swait.ge [sflag:s14], $0x200  }
0x13e: {  	s26 =	sshrl.u32 @!p0 s26, $0x3;
	[sflag:s14] =	ssyncset.done $0x0  }
0x13f: {  	s26 =	sadd.s32 @!p0 s0, s26;
	s28 =	simm.s32 @!p0 $0x0;
	[sflag:s14] =	ssyncadd.s32 $0xFFFFFE00  }
0x140: {  	[tilespmem:s28], [sflag:$0x3] =	stream.linear.gather @!p0 [hbm4b:s26+s28], $0x200, $0x38;
	[tilespmem:$0x10680] =	vst v63  }
0x141: {  	s26 =	simm.s32 @!p0 $0x3  }
0x142: {  	_ =	swait.ge @!p0 [sflag:s26], $0x200  }
0x143: {  	[sflag:s26] =	ssyncset.done @!p0 $0x0  }
0x144: {  	s29 =	simm.s32 @!p0 $0x400;
	[sflag:s26] =	ssyncadd.s32 @!p0 $0xFFFFFE00;
	s26 =	simm.s32 @!p0 $0x200  }
0x145: {  	[tilespmem:s29], [sflag:$0x1] =	stream.indirect.gather @!p0 [hbm4b:s9+s26], $0x40, s28, s26, $0xb8;
	[tilespmem:$0x10680] =	vst v63  }
0x146: {  	_ =	swait.ge [sflag:s21], $0x8000  }
0x147: {  	[sflag:s21] =	ssyncset.done $0x0  }
0x148: {  	s31 =	simm.s32 $0x220;
	[sflag:s21] =	ssyncadd.s32 $0xFFFF8000  }
0x149: {  	v13 =	vld [tilespmem:s31+$0xFFFFFFE0]  }
0x14a: {  	v15 =	vld [tilespmem:s31+$0x10]  }
0x14b: {  	v16 =	vld [tilespmem:s31+$0x0]  }
0x14c: {  	v17 =	vld [tilespmem:s31+$0xFFFFFFF0];
	_ =	sdelay $0x1  }
0x14d: {  	s29 =	simm.s32 $0x260;
	vm0 =	vgt.s32 v13, $0x0  }
0x14e: {  	s28 =	simm.s32 $0x104A0;
	v14 =	vld [tilespmem:s29+$0xFFFFFFE0];
	vm14 =	vgt.s32 v15, $0x0;
	v18 =	vsel vm0, $0x1, v0  }
0x14f: {  	v13 =	vld [tilespmem:s29+$0x10];
	vm1 =	vgt.s32 v16, $0x0;
	v16 =	vsel vm14, $0x1, v0;
	[tilespmem:s28+$0xFFFFFFE0] =	vst v18  }
0x150: {  	v15 =	vld [tilespmem:s29+$0x0];
	vm15 =	vgt.s32 v17, $0x0;
	v18 =	vsel vm1, $0x1, v0;
	[tilespmem:s28+$0x10] =	vst v16  }
0x151: {  	s30 =	simm.s32 $0x4;
	v17 =	vsel vm15, $0x1, v0;
	v16 =	vld [tilespmem:s29+$0xFFFFFFF0];
	[tilespmem:s28+$0x0] =	vst v18  }
.LBB2_7:
0x152: {  	s30 =	sadd.s32 $0x4, s30  }
0x153: {  	[tilespmem:s28+$0xFFFFFFF0] =	vst v17;
	s28 =	sadd.s32 $0x40, s28;
	s26 =	simm.s32 $0x8480;
	p0 =	slt.u32 s30, $0x1C  }
.Ltmp2:
0x154: {  	s29 =	sadd.s32 $0x40, s29;
	vm0 =	vgt.s32 v14, $0x0;
	(pc) =	sbr.rel @p0 .LBB2_7-.Ltmp2, $4  }
0x155: {  	v14 =	vld [tilespmem:s29+$0xFFFFFFE0];
	v17 =	vsel vm0, $0x1, v0;
	vm0 =	vgt.s32 v13, $0x0  }
0x156: {  	v13 =	vld [tilespmem:s29+$0x10];
	[tilespmem:s28+$0xFFFFFFE0] =	vst v17;
	vm1 =	vgt.s32 v15, $0x0;
	v17 =	vsel vm0, $0x1, v0  }
0x157: {  	v15 =	vld [tilespmem:s29+$0x0];
	vm0 =	vgt.s32 v16, $0x0;
	v18 =	vsel vm1, $0x1, v0;
	[tilespmem:s28+$0x10] =	vst v17  }
0x158: {  	v16 =	vld [tilespmem:s29+$0xFFFFFFF0];
	v17 =	vsel vm0, $0x1, v0;
	[tilespmem:s28+$0x0] =	vst v18  }
0x159: {  	_ = 	snop  }
0x15a: {  	vm0 =	vgt.s32 v14, $0x0  }
0x15b: {  	[tilespmem:s28+$0xFFFFFFF0] =	vst v17;
	s28 =	sadd.s32 $0x40, s28;
	v14 =	vsel vm0, $0x1, v0;
	vm14 =	vgt.s32 v13, $0x0  }
0x15c: {  	[tilespmem:s28+$0xFFFFFFE0] =	vst v14;
	vm1 =	vgt.s32 v15, $0x0;
	v13 =	vsel vm14, $0x1, v0  }
0x15d: {  	vm15 =	vgt.s32 v16, $0x0;
	v14 =	vsel vm1, $0x1, v0;
	[tilespmem:s28+$0x10] =	vst v13  }
0x15e: {  	v13 =	vsel vm15, $0x1, v0;
	[tilespmem:s28+$0x0] =	vst v14  }
0x15f: {  	[tilespmem:s28+$0xFFFFFFF0] =	vst v13  }
0x160: {  	v18 =	vld [tilespmem:s26+$0x40]  }
0x161: {  	v14 =	vld [tilespmem:s26+$0x50]  }
0x162: {  	v13 =	vld [tilespmem:s26+$0x60]  }
0x163: {  	v27 =	vld [tilespmem:s26+$0x70]  }
0x164: {  	v26 =	vld [tilespmem:s26+$0xFFFFFF90]  }
0x165: {  	v22 =	vld [tilespmem:s26+$0xFFFFFFA0]  }
0x166: {  	v23 =	vld [tilespmem:s26+$0xFFFFFFB0]  }
0x167: {  	v17 =	vld [tilespmem:s26+$0xFFFFFFC0]  }
0x168: {  	v16 =	vld [tilespmem:s26+$0xFFFFFFD0]  }
0x169: {  	v15 =	vld [tilespmem:s26+$0xFFFFFFE0]  }
0x16a: {  	v19 =	vld [tilespmem:s26+$0xFFFFFFF0]  }
0x16b: {  	v38 =	vld [tilespmem:s26+$0xFFFFFF80]  }
0x16c: {  	v20 =	vadd.f32 v14, v18;
	v24 =	vmul.f32 v18, v18;
	v25 =	vmul.f32 v14, v14  }
0x16d: {  	v21 =	vadd.f32 v27, v13;
	v28 =	vmul.f32 v13, v13;
	v29 =	vmul.f32 v27, v27  }
0x16e: {  	v30 =	vmul.f32 v26, v26;
	v32 =	vmul.f32 v22, v22;
	v33 =	vadd.f32 v23, v22  }
0x16f: {  	v34 =	vmul.f32 v17, v17;
	v35 =	vadd.f32 v16, v17;
	v49 =	vmul.f32 v16, v16  }
0x170: {  	v37 =	vmul.f32 v15, v15;
	v39 =	vadd.f32 v19, v15;
	v44 =	vadd.f32 v26, v38  }
0x171: {  	v45 =	vmul.f32 v38, v38;
	v31 =	vadd.f32 v21, v20;
	v25 =	vadd.f32 v25, v24  }
0x172: {  	v28 =	vadd.f32 v29, v28;
	v29 =	vmul.f32 v23, v23;
	v35 =	vadd.f32 v39, v35  }
0x173: {  	v51 =	vmul.f32 v19, v19;
	v20 =	vld [tilespmem:s26+$0x0];
	v33 =	vadd.f32 v33, v44;
	v30 =	vadd.f32 v30, v45  }
0x174: {  	v24 =	vld [tilespmem:s26+$0x10];
	v28 =	vadd.f32 v28, v25;
	v36 =	vperm.xlane v31, v1;
	v29 =	vadd.f32 v29, v32  }
0x175: {  	v21 =	vld [tilespmem:s26+$0x20];
	v32 =	vadd.f32 v49, v34;
	v34 =	vadd.f32 v51, v37  }
0x176: {  	v25 =	vld [tilespmem:s26+$0x30];
	v56 =	vperm.xlane v35, v1;
	v58 =	vperm.xlane v33, v1;
	v31 =	vadd.f32 v31, v36  }
0x177: {  	v29 =	vadd.f32 v29, v30;
	v32 =	vadd.f32 v34, v32  }
0x178: {  	v50 =	vperm.xlane v28, v1;
	v62 =	vadd.f32 v33, v58;
	v35 =	vadd.f32 v35, v56  }
0x179: {  	v40 =	vmul.f32 v20, v20;
	v41 =	vadd.f32 v24, v20;
	v53 =	vmul.f32 v24, v24  }
0x17a: {  	v42 =	vmul.f32 v21, v21;
	v28 =	vadd.f32 v28, v50;
	v52 =	vperm.xlane v31, v2  }
0x17b: {  	v63 =	vperm.xlane v29, v1;
	v45 =	vperm.xlane v35, v2;
	v43 =	vadd.f32 v25, v21  }
0x17c: {  	v46 =	vmul.f32 v25, v25;
	v39 =	vadd.f32 v53, v40;
	v31 =	vadd.f32 v52, v31  }
0x17d: {  	v54 =	vperm.xlane v28, v2;
	v29 =	vadd.f32 v29, v63;
	v35 =	vadd.f32 v45, v35  }
0x17e: {  	v41 =	vadd.f32 v43, v41;
	v59 =	vadd.f32 v46, v42  }
0x17f: {  	v43 =	vperm.xlane v32, v1;
	v28 =	vadd.f32 v54, v28;
	v55 =	vperm.xlane v31, v3  }
0x180: {  	v47 =	vperm.xlane v29, v2;
	v51 =	vperm.xlane v35, v3;
	v60 =	vadd.f32 v59, v39  }
0x181: {  	v61 =	vperm.xlane v41, v1;
	v32 =	vadd.f32 v32, v43;
	v31 =	vadd.f32 v55, v31  }
0x182: {  	v57 =	vperm.xlane v28, v3;
	v29 =	vadd.f32 v47, v29;
	v35 =	vadd.f32 v51, v35  }
0x183: {  	v36 =	vadd.f32 v41, v61;
	v48 =	vperm.xlane v32, v2;
	v30 =	vperm.xlane v31, v4  }
0x184: {  	v28 =	vadd.f32 v57, v28;
	v53 =	vperm.xlane v29, v3;
	v58 =	vperm.xlane v35, v4  }
0x185: {  	v46 =	vperm.xlane v36, v2;
	v32 =	vadd.f32 v48, v32;
	v30 =	vadd.f32 v30, v31  }
0x186: {  	v31 =	vperm.xlane v28, v4;
	v29 =	vadd.f32 v53, v29;
	v35 =	vadd.f32 v58, v35  }
0x187: {  	v34 =	vadd.f32 v46, v36;
	v55 =	vperm.xlane v32, v3;
	v33 =	vmul.f32 $1.562500000e-02, v30  }
0x188: {  	v28 =	vadd.f32 v31, v28;
	v30 =	vperm.xlane v62, v2;
	v31 =	vperm.xlane v60, v1  }
0x189: {  	v59 =	vperm.xlane v29, v4;
	v35 =	vmul.f32 $1.562500000e-02, v35;
	v32 =	vadd.f32 v55, v32  }
0x18a: {  	v28 =	vmul.f32 $1.562500000e-02, v28;
	v44 =	vmul.f32 v33, v33;
	v31 =	vadd.f32 v60, v31  }
0x18b: {  	v54 =	vperm.xlane v34, v3;
	v30 =	vadd.f32 v30, v62;
	v29 =	vadd.f32 v59, v29  }
0x18c: {  	v27 =	vsub.f32 v27, v33;
	v28 =	vsub.f32 v28, v44;
	v49 =	vperm.xlane v31, v2  }
0x18d: {  	v34 =	vadd.f32 v54, v34;
	v61 =	vperm.xlane v32, v4;
	v50 =	vperm.xlane v30, v3  }
0x18e: {  	v48 =	vmul.f32 v35, v35;
	v28 =	vadd.f32 $9.999999740e-06, v28;
	v31 =	vadd.f32 v49, v31  }
0x18f: {  	v60 =	vperm.xlane v34, v4;
	v32 =	vadd.f32 v61, v32;
	v30 =	vadd.f32 v50, v30  }
0x190: {  	v52 =	vshrl.u32 v28, $0x1;
	v28 =	vmul.f32 $5.000000000e-01, v28;
	v56 =	vperm.xlane v31, v3  }
0x191: {  	v34 =	vadd.f32 v60, v34;
	v57 =	vperm.xlane v30, v4;
	v36 =	vsub.s32 $0x5F3759DF, v52  }
0x192: {  	v14 =	vsub.f32 v14, v33;
	v28 =	vmul.f32 v36, v28;
	v31 =	vadd.f32 v56, v31  }
0x193: {  	v32 =	vmul.f32 $1.562500000e-02, v32;
	v63 =	vmul.f32 $1.562500000e-02, v34;
	v30 =	vadd.f32 v57, v30  }
0x194: {  	v13 =	vsub.f32 v13, v33;
	v28 =	vmul.f32 v36, v28;
	v62 =	vperm.xlane v31, v4  }
0x195: {  	v29 =	vmul.f32 $1.562500000e-02, v29;
	v32 =	vsub.f32 v32, v48;
	v30 =	vmul.f32 $1.562500000e-02, v30  }
0x196: {  	v49 =	vmul.f32 v63, v63;
	v31 =	vadd.f32 v62, v31;
	v28 =	vsub.f32 $1.500000000e+00, v28  }
0x197: {  	v47 =	vmul.f32 v30, v30;
	v51 =	vsub.f32 v38, v30;
	v26 =	vsub.f32 v26, v30  }
0x198: {  	v22 =	vsub.f32 v22, v30;
	v23 =	vsub.f32 v23, v30;
	v31 =	vmul.f32 $1.562500000e-02, v31  }
0x199: {  	v29 =	vsub.f32 v29, v47;
	v50 =	vmul.f32 v36, v28;
	v28 =	vadd.f32 $9.999999740e-06, v32  }
0x19a: {  	v30 =	vsub.f32 v17, v35;
	v31 =	vsub.f32 v31, v49  }
0x19b: {  	v29 =	vadd.f32 $9.999999740e-06, v29;
	v53 =	vshrl.u32 v28, $0x1;
	v28 =	vmul.f32 $5.000000000e-01, v28  }
0x19c: {  	v40 =	vmul.f32 v50, v27;
	v36 =	vsub.s32 $0x5F3759DF, v53;
	v31 =	vadd.f32 $9.999999740e-06, v31  }
0x19d: {  	v52 =	vshrl.u32 v29, $0x1;
	v29 =	vmul.f32 $5.000000000e-01, v29;
	v28 =	vmul.f32 v36, v28  }
0x19e: {  	v34 =	vsub.s32 $0x5F3759DF, v52;
	v54 =	vshrl.u32 v31, $0x1;
	v31 =	vmul.f32 $5.000000000e-01, v31  }
0x19f: {  	v29 =	vmul.f32 v34, v29;
	v17 =	vmul.f32 v36, v28;
	v38 =	vsub.s32 $0x5F3759DF, v54  }
0x1a0: {  	v14 =	vmul.f32 v50, v14;
	v31 =	vmul.f32 v38, v31  }
0x1a1: {  	s28 =	simm.s32 $0x8580;
	v13 =	vmul.f32 v50, v13;
	v29 =	vmul.f32 v34, v29;
	v17 =	vsub.f32 $1.500000000e+00, v17  }
0x1a2: {  	v32 =	vld [tilespmem:s28+$0xFFFFFF90];
	v40 =	vmul.f32 v40, v8;
	v28 =	vmul.f32 v38, v31  }
0x1a3: {  	v31 =	vsub.f32 v16, v35;
	v16 =	vsub.f32 $1.500000000e+00, v29;
	v55 =	vmul.f32 v36, v17  }
0x1a4: {  	v19 =	vsub.f32 v19, v35;
	v14 =	vmul.f32 v14, v6;
	v13 =	vmul.f32 v13, v7  }
0x1a5: {  	v27 =	vsub.f32 $1.500000000e+00, v28;
	v29 =	vmul.f32 v34, v16;
	v45 =	vmul.f32 v55, v30  }
0x1a6: {  	v17 =	vld [tilespmem:s28+$0x60];
	v46 =	vmul.f32 v55, v31;
	v36 =	vmul.f32 v55, v19  }
0x1a7: {  	v28 =	vsub.f32 v15, v35;
	v35 =	vmul.f32 v32, v32;
	v27 =	vmul.f32 v38, v27  }
0x1a8: {  	v20 =	vsub.f32 v20, v63;
	v41 =	vmul.f32 v29, v51;
	v42 =	vmul.f32 v29, v26  }
0x1a9: {  	v56 =	vsub.f32 v24, v63;
	v43 =	vmul.f32 v29, v22;
	v44 =	vmul.f32 v29, v23  }
0x1aa: {  	v21 =	vsub.f32 v21, v63;
	v15 =	vld [tilespmem:s28+$0x40];
	v37 =	vmul.f32 v55, v28;
	v45 =	vmul.f32 v45, v5  }
0x1ab: {  	v16 =	vld [tilespmem:s28+$0x50];
	v22 =	vsub.f32 v25, v63;
	v46 =	vmul.f32 v46, v6;
	v57 =	vmul.f32 v17, v17  }
0x1ac: {  	v34 =	vld [tilespmem:s28+$0x70];
	v24 =	vmul.f32 v27, v20;
	v31 =	vmul.f32 v27, v56  }
0x1ad: {  	v30 =	vmul.f32 v27, v21;
	v28 =	vmul.f32 v27, v22  }
0x1ae: {  	v53 =	vld [tilespmem:s28+$0xFFFFFF80];
	v40 =	vadd.f32 v40, v12;
	v41 =	vmul.f32 v41, v5;
	v42 =	vmul.f32 v42, v6  }
0x1af: {  	v19 =	vld [tilespmem:s28+$0xFFFFFFD0];
	v23 =	vsub.f32 v18, v33;
	v43 =	vmul.f32 v43, v7;
	v44 =	vmul.f32 v44, v8  }
0x1b0: {  	v29 =	vld [tilespmem:s28+$0xFFFFFFA0];
	v37 =	vmul.f32 v37, v7;
	v45 =	vadd.f32 v45, v9;
	v46 =	vadd.f32 v46, v10  }
0x1b1: {  	v18 =	vld [tilespmem:s28+$0xFFFFFFC0];
	v20 =	vadd.f32 v16, v15;
	v21 =	vadd.f32 v34, v17;
	v25 =	vmul.f32 v15, v15  }
0x1b2: {  	v27 =	vld [tilespmem:s28+$0xFFFFFFB0];
	v26 =	vmul.f32 v16, v16;
	v41 =	vadd.f32 v41, v9;
	v42 =	vadd.f32 v42, v10  }
0x1b3: {  	v22 =	vld [tilespmem:s28+$0xFFFFFFE0];
	v58 =	vmul.f32 v34, v34;
	v43 =	vadd.f32 v43, v11;
	v44 =	vadd.f32 v44, v12  }
0x1b4: {  	v33 =	vmul.f32 v50, v23;
	v23 =	vld [tilespmem:s28+$0x0];
	v37 =	vadd.f32 v37, v11;
	v47 =	vadd.f32 v21, v20  }
0x1b5: {  	v52 =	vmul.f32 v19, v19;
	v21 =	vadd.f32 v26, v25;
	v26 =	vadd.f32 v58, v57  }
0x1b6: {  	v20 =	vld [tilespmem:s28+$0xFFFFFFF0];
	v59 =	vmul.f32 v29, v29;
	v50 =	vmul.f32 v18, v18;
	v51 =	vadd.f32 v19, v18  }
0x1b7: {  	v25 =	vld [tilespmem:s28+$0x10];
	v58 =	vmul.f32 v53, v53;
	v60 =	vmul.f32 v27, v27;
	v48 =	vadd.f32 v26, v21  }
0x1b8: {  	v26 =	vperm.xlane v47, v1;
	v49 =	vadd.f32 v27, v29;
	v39 =	vmul.f32 v22, v22  }
0x1b9: {  	v50 =	vadd.f32 v52, v50;
	v56 =	vmul.f32 v23, v23;
	v35 =	vadd.f32 v35, v58  }
0x1ba: {  	v21 =	vld [tilespmem:s28+$0x20];
	v47 =	vadd.f32 v47, v26;
	v54 =	vperm.xlane v48, v1;
	v38 =	vadd.f32 v60, v59  }
0x1bb: {  	v26 =	vld [tilespmem:s28+$0x30];
	v60 =	vadd.f32 v32, v53;
	v55 =	vadd.f32 v20, v22;
	v62 =	vmul.f32 v20, v20  }
0x1bc: {  	v57 =	vadd.f32 v25, v23;
	v48 =	vadd.f32 v48, v54;
	v61 =	vperm.xlane v47, v2  }
0x1bd: {  	v54 =	vmul.f32 v25, v25;
	v49 =	vadd.f32 v49, v60;
	v38 =	vadd.f32 v38, v35  }
0x1be: {  	v51 =	vadd.f32 v55, v51;
	v39 =	vadd.f32 v62, v39;
	v55 =	vmul.f32 v24, v5  }
0x1bf: {  	v47 =	vadd.f32 v61, v47;
	v63 =	vperm.xlane v48, v2;
	v54 =	vadd.f32 v54, v56  }
0x1c0: {  	v58 =	vperm.xlane v38, v1;
	v56 =	vmul.f32 v33, v5;
	v61 =	vadd.f32 v26, v21  }
0x1c1: {  	v60 =	vmul.f32 v26, v26;
	v39 =	vadd.f32 v39, v50;
	v48 =	vadd.f32 v63, v48  }
0x1c2: {  	v62 =	vperm.xlane v47, v3;
	v63 =	vmul.f32 v21, v21;
	v38 =	vadd.f32 v38, v58  }
0x1c3: {  	v52 =	vadd.f32 v61, v57;
	v59 =	vperm.xlane v39, v1;
	v61 =	vperm.xlane v48, v3  }
0x1c4: {  	v47 =	vadd.f32 v62, v47;
	v62 =	vadd.f32 v60, v63;
	v63 =	vperm.xlane v49, v1  }
0x1c5: {  	v58 =	vperm.xlane v38, v2;
	v39 =	vadd.f32 v39, v59;
	v48 =	vadd.f32 v61, v48  }
0x1c6: {  	v60 =	vperm.xlane v47, v4;
	v61 =	vperm.xlane v51, v1;
	v54 =	vadd.f32 v62, v54  }
0x1c7: {  	v62 =	vperm.xlane v52, v1;
	v49 =	vadd.f32 v49, v63;
	v38 =	vadd.f32 v58, v38  }
0x1c8: {  	v59 =	vperm.xlane v39, v2;
	v63 =	vadd.f32 v60, v47;
	v57 =	vperm.xlane v48, v4  }
0x1c9: {  	v50 =	vadd.f32 v51, v61;
	v52 =	vadd.f32 v52, v62;
	v60 =	vperm.xlane v49, v2  }
0x1ca: {  	v61 =	vperm.xlane v54, v1;
	v39 =	vadd.f32 v59, v39;
	v35 =	vmul.f32 $1.562500000e-02, v63  }
0x1cb: {  	v47 =	vadd.f32 v57, v48;
	v63 =	vperm.xlane v50, v2;
	v57 =	vperm.xlane v52, v2  }
0x1cc: {  	v51 =	vadd.f32 v54, v61;
	v54 =	vmul.f32 v31, v6;
	v58 =	vperm.xlane v39, v3  }
0x1cd: {  	v48 =	vadd.f32 v60, v49;
	v47 =	vmul.f32 $1.562500000e-02, v47;
	v62 =	vmul.f32 v35, v35  }
0x1ce: {  	v50 =	vadd.f32 v63, v50;
	v49 =	vadd.f32 v57, v52;
	v60 =	vperm.xlane v51, v2  }
0x1cf: {  	v61 =	vperm.xlane v48, v3;
	v34 =	vsub.f32 v34, v35;
	v15 =	vsub.f32 v15, v35  }
0x1d0: {  	v57 =	vperm.xlane v38, v3;
	v39 =	vadd.f32 v58, v39;
	v47 =	vsub.f32 v47, v62  }
0x1d1: {  	v51 =	vadd.f32 v60, v51;
	v62 =	vperm.xlane v50, v3;
	v48 =	vadd.f32 v61, v48  }
0x1d2: {  	v63 =	vperm.xlane v49, v3;
	v38 =	vadd.f32 v57, v38;
	v47 =	vadd.f32 $9.999999740e-06, v47  }
0x1d3: {  	v50 =	vadd.f32 v62, v50;
	v59 =	vperm.xlane v51, v3;
	v61 =	vperm.xlane v48, v4  }
0x1d4: {  	v49 =	vadd.f32 v63, v49;
	v58 =	vperm.xlane v38, v4;
	v60 =	vshrl.u32 v47, $0x1  }
0x1d5: {  	v47 =	vmul.f32 $5.000000000e-01, v47;
	v51 =	vadd.f32 v59, v51;
	v48 =	vadd.f32 v61, v48  }
0x1d6: {  	v62 =	vperm.xlane v50, v4;
	v63 =	vperm.xlane v49, v4;
	v52 =	vsub.s32 $0x5F3759DF, v60  }
0x1d7: {  	v59 =	vperm.xlane v39, v4;
	v38 =	vadd.f32 v58, v38;
	v47 =	vmul.f32 v52, v47  }
0x1d8: {  	v50 =	vadd.f32 v62, v50;
	v57 =	vadd.f32 v63, v49;
	v60 =	vperm.xlane v51, v4  }
0x1d9: {  	v48 =	vmul.f32 $1.562500000e-02, v48;
	v39 =	vadd.f32 v59, v39;
	v47 =	vmul.f32 v52, v47  }
0x1da: {  	v38 =	vmul.f32 $1.562500000e-02, v38;
	v50 =	vmul.f32 $1.562500000e-02, v50;
	v49 =	vadd.f32 v60, v51  }
0x1db: {  	v61 =	vmul.f32 v48, v48;
	v39 =	vmul.f32 $1.562500000e-02, v39;
	v24 =	vsub.f32 $1.500000000e+00, v47  }
0x1dc: {  	v32 =	vsub.f32 v32, v48;
	v47 =	vmul.f32 $1.562500000e-02, v57;
	v62 =	vmul.f32 v50, v50  }
0x1dd: {  	v29 =	vsub.f32 v29, v48;
	v49 =	vmul.f32 $1.562500000e-02, v49;
	v24 =	vmul.f32 v52, v24  }
0x1de: {  	v38 =	vsub.f32 v38, v61;
	v52 =	vsub.f32 v53, v48;
	v63 =	vmul.f32 v47, v47  }
0x1df: {  	v53 =	vsub.f32 v39, v62;
	v39 =	vmul.f32 v30, v7;
	v34 =	vmul.f32 v24, v34  }
0x1e0: {  	v30 =	vsub.f32 v49, v63;
	v49 =	vmul.f32 v28, v8;
	v28 =	vadd.f32 $9.999999740e-06, v38  }
0x1e1: {  	v27 =	vsub.f32 v27, v48;
	v18 =	vsub.f32 v18, v50;
	v34 =	vmul.f32 v34, v8  }
0x1e2: {  	v30 =	vadd.f32 $9.999999740e-06, v30;
	v57 =	vshrl.u32 v28, $0x1;
	v28 =	vmul.f32 $5.000000000e-01, v28  }
0x1e3: {  	v33 =	vsub.s32 $0x5F3759DF, v57;
	v31 =	vadd.f32 v34, v12;
	v34 =	vadd.f32 $9.999999740e-06, v53  }
0x1e4: {  	v59 =	vshrl.u32 v30, $0x1;
	v30 =	vmul.f32 $5.000000000e-01, v30;
	v28 =	vmul.f32 v33, v28  }
0x1e5: {  	v51 =	vsub.s32 $0x5F3759DF, v59;
	v58 =	vshrl.u32 v34, $0x1;
	v34 =	vmul.f32 $5.000000000e-01, v34  }
0x1e6: {  	v30 =	vmul.f32 v51, v30;
	v28 =	vmul.f32 v33, v28;
	v48 =	vsub.s32 $0x5F3759DF, v58  }
0x1e7: {  	[tilespmem:s26+$0x70] =	vst v40;
	v19 =	vsub.f32 v19, v50;
	v22 =	vsub.f32 v22, v50;
	v34 =	vmul.f32 v48, v34  }
0x1e8: {  	[tilespmem:s26+$0xFFFFFFC0] =	vst v45;
	v60 =	vsub.f32 v23, v47;
	v30 =	vmul.f32 v51, v30;
	v23 =	vsub.f32 $1.500000000e+00, v28  }
0x1e9: {  	[tilespmem:s26+$0xFFFFFFD0] =	vst v46;
	v20 =	vsub.f32 v20, v50;
	v25 =	vsub.f32 v25, v47;
	v34 =	vmul.f32 v48, v34  }
0x1ea: {  	[tilespmem:s26+$0xFFFFFF80] =	vst v41;
	v61 =	vsub.f32 v21, v47;
	v30 =	vsub.f32 $1.500000000e+00, v30;
	v21 =	vmul.f32 v33, v23  }
0x1eb: {  	v36 =	vmul.f32 v36, v8;
	[tilespmem:s26+$0xFFFFFF90] =	vst v42;
	v26 =	vsub.f32 v26, v47;
	v28 =	vsub.f32 $1.500000000e+00, v34  }
0x1ec: {  	[tilespmem:s26+$0xFFFFFFA0] =	vst v43;
	v63 =	vsub.f32 v16, v35;
	v62 =	vmul.f32 v51, v30;
	v33 =	vmul.f32 v21, v52  }
0x1ed: {  	[tilespmem:s26+$0xFFFFFFB0] =	vst v44;
	v30 =	vmul.f32 v21, v27;
	v27 =	vadd.f32 v36, v12;
	v28 =	vmul.f32 v48, v28  }
0x1ee: {  	v16 =	vsub.f32 v17, v35;
	[tilespmem:s28+$0x70] =	vst v31;
	v32 =	vmul.f32 v21, v32;
	v17 =	vmul.f32 v21, v29  }
0x1ef: {  	[tilespmem:s26+$0xFFFFFFF0] =	vst v27;
	v27 =	vmul.f32 v24, v15;
	v31 =	vmul.f32 v28, v18;
	v18 =	vadd.f32 v55, v9  }
0x1f0: {  	[tilespmem:s26+$0xFFFFFFE0] =	vst v37;
	v23 =	vmul.f32 v28, v19;
	v21 =	vmul.f32 v28, v20;
	v20 =	vadd.f32 v54, v10  }
0x1f1: {  	v29 =	vmul.f32 v28, v22;
	v28 =	vmul.f32 v62, v60;
	[tilespmem:s26+$0x0] =	vst v18;
	v18 =	vadd.f32 v39, v11  }
0x1f2: {  	v22 =	vmul.f32 v62, v25;
	v19 =	vmul.f32 v62, v61;
	[tilespmem:s26+$0x10] =	vst v20;
	v20 =	vadd.f32 v49, v12  }
0x1f3: {  	s29 =	simm.s32 $0x4;
	s30 =	simm.s32 $0x8680;
	v25 =	vmul.f32 v62, v26;
	v26 =	vmul.f32 v24, v63;
	[tilespmem:s26+$0x20] =	vst v18;
	v18 =	vadd.f32 v56, v9  }
.LBB2_9:
0x1f4: {  	v15 =	vld [tilespmem:s30+$0x40];
	v33 =	vmul.f32 v33, v5;
	v24 =	vmul.f32 v24, v16;
	[tilespmem:s26+$0x30] =	vst v20;
	v14 =	vadd.f32 v14, v10  }
0x1f5: {  	v20 =	vmul.f32 v32, v6;
	v34 =	vmul.f32 v17, v7;
	v13 =	vadd.f32 v13, v11;
	v16 =	vld [tilespmem:s30+$0x50];
	[tilespmem:s26+$0x40] =	vst v18  }
0x1f6: {  	v30 =	vmul.f32 v30, v8;
	v31 =	vmul.f32 v31, v5;
	v17 =	vld [tilespmem:s30+$0x60];
	v18 =	vadd.f32 v33, v9;
	[tilespmem:s26+$0x50] =	vst v14  }
0x1f7: {  	v35 =	vmul.f32 v29, v7;
	v14 =	vadd.f32 v20, v10;
	v33 =	vmul.f32 v23, v6;
	v36 =	vld [tilespmem:s30+$0x70];
	[tilespmem:s26+$0x60] =	vst v13;
	s26 =	smov.u32 s28;
	s28 =	smov.u32 s30  }
0x1f8: {  	s29 =	sadd.s32 $0x4, s29;
	v23 =	vmul.f32 v21, v8;
	v21 =	vmul.f32 v28, v5;
	v13 =	vadd.f32 v34, v11;
	v32 =	vld [tilespmem:s30+$0xFFFFFF90];
	[tilespmem:s26+$0xFFFFFF80] =	vst v18  }
0x1f9: {  	v22 =	vmul.f32 v22, v6;
	v19 =	vmul.f32 v19, v7;
	p0 =	slt.u32 s29, $0x1FC;
	v28 =	vld [tilespmem:s30+$0xFFFFFFA0];
	[tilespmem:s26+$0xFFFFFF90] =	vst v14;
	v14 =	vadd.f32 v30, v12  }
0x1fa: {  	v20 =	vmul.f32 v25, v8;
	v18 =	vmul.f32 v27, v5;
	v30 =	vadd.f32 v31, v9;
	v29 =	vld [tilespmem:s30+$0xFFFFFFB0];
	[tilespmem:s26+$0xFFFFFFA0] =	vst v13  }
0x1fb: {  	v31 =	vadd.f32 v16, v15;
	v13 =	vmul.f32 v24, v7;
	v25 =	vld [tilespmem:s30+$0xFFFFFFC0];
	[tilespmem:s26+$0xFFFFFFB0] =	vst v14;
	v14 =	vmul.f32 v26, v6  }
0x1fc: {  	v34 =	vmul.f32 v15, v15;
	v37 =	vmul.f32 v16, v16;
	v26 =	vld [tilespmem:s30+$0xFFFFFFD0];
	v24 =	vadd.f32 v36, v17;
	[tilespmem:s26+$0xFFFFFFC0] =	vst v30  }
0x1fd: {  	v33 =	vadd.f32 v33, v10;
	v38 =	vmul.f32 v17, v17;
	v39 =	vmul.f32 v36, v36;
	v27 =	vld [tilespmem:s30+$0xFFFFFFE0]  }
0x1fe: {  	v40 =	vmul.f32 v32, v32;
	v41 =	vmul.f32 v28, v28;
	v30 =	vld [tilespmem:s30+$0xFFFFFFF0];
	v24 =	vadd.f32 v24, v31  }
0x1ff: {  	v37 =	vadd.f32 v37, v34;
	v38 =	vadd.f32 v39, v38;
	v42 =	vmul.f32 v29, v29;
	v31 =	vld [tilespmem:s30+$0x0];
	[tilespmem:s26+$0xFFFFFFD0] =	vst v33  }
0x200: {  	v44 =	vadd.f32 v35, v11;
	v39 =	vadd.f32 v29, v28;
	v43 =	vmul.f32 v25, v25;
	v34 =	vld [tilespmem:s30+$0x10]  }
0x201: {  	v37 =	vadd.f32 v38, v37;
	v46 =	vperm.xlane v24, v1;
	v45 =	vadd.f32 v26, v25;
	v33 =	vld [tilespmem:s30+$0x20]  }
0x202: {  	v41 =	vadd.f32 v42, v41;
	v42 =	vmul.f32 v26, v26;
	v47 =	vmul.f32 v27, v27;
	v35 =	vld [tilespmem:s30+$0x30];
	[tilespmem:s26+$0xFFFFFFE0] =	vst v44  }
0x203: {  	v24 =	vadd.f32 v24, v46;
	v46 =	vperm.xlane v37, v1;
	v38 =	vld [tilespmem:s30+$0xFFFFFF80];
	v44 =	vadd.f32 v30, v27  }
0x204: {  	v42 =	vadd.f32 v42, v43;
	v43 =	vmul.f32 v30, v30;
	v48 =	vmul.f32 v31, v31  }
0x205: {  	v37 =	vadd.f32 v37, v46;
	v46 =	vperm.xlane v24, v2;
	v49 =	vadd.f32 v34, v31  }
0x206: {  	v44 =	vadd.f32 v44, v45;
	v45 =	vmul.f32 v34, v34;
	v50 =	vmul.f32 v33, v33  }
0x207: {  	v24 =	vadd.f32 v46, v24;
	v46 =	vperm.xlane v37, v2;
	v51 =	vadd.f32 v35, v33  }
0x208: {  	v54 =	vmul.f32 v35, v35;
	v52 =	vadd.f32 v32, v38;
	v53 =	vmul.f32 v38, v38  }
0x209: {  	v43 =	vadd.f32 v43, v47;
	v37 =	vadd.f32 v46, v37;
	v46 =	vperm.xlane v24, v3  }
0x20a: {  	v47 =	vperm.xlane v44, v1;
	v39 =	vadd.f32 v39, v52;
	v40 =	vadd.f32 v40, v53  }
0x20b: {  	v49 =	vadd.f32 v51, v49;
	v24 =	vadd.f32 v46, v24;
	v46 =	vperm.xlane v37, v3  }
0x20c: {  	v45 =	vadd.f32 v45, v48;
	v48 =	vadd.f32 v54, v50;
	v51 =	vperm.xlane v39, v1  }
0x20d: {  	v40 =	vadd.f32 v41, v40;
	v37 =	vadd.f32 v46, v37;
	v41 =	vperm.xlane v24, v4  }
0x20e: {  	v42 =	vadd.f32 v43, v42;
	v43 =	vadd.f32 v48, v45;
	v45 =	vperm.xlane v49, v1  }
0x20f: {  	v39 =	vadd.f32 v39, v51;
	v24 =	vadd.f32 v41, v24;
	v41 =	vperm.xlane v37, v4  }
0x210: {  	v44 =	vadd.f32 v44, v47;
	v47 =	vperm.xlane v42, v1;
	v46 =	vperm.xlane v40, v1  }
0x211: {  	v45 =	vadd.f32 v49, v45;
	v41 =	vadd.f32 v41, v37;
	v37 =	vmul.f32 $1.562500000e-02, v24  }
0x212: {  	v24 =	vadd.f32 v40, v46;
	v40 =	vperm.xlane v39, v2;
	v46 =	vperm.xlane v43, v1  }
0x213: {  	v42 =	vadd.f32 v42, v47;
	v41 =	vmul.f32 $1.562500000e-02, v41;
	v47 =	vmul.f32 v37, v37  }
0x214: {  	v48 =	vperm.xlane v44, v2;
	v43 =	vadd.f32 v43, v46;
	v46 =	vperm.xlane v45, v2  }
0x215: {  	v39 =	vadd.f32 v40, v39;
	v40 =	vperm.xlane v24, v2;
	v41 =	vsub.f32 v41, v47  }
0x216: {  	v44 =	vadd.f32 v48, v44;
	v47 =	vperm.xlane v42, v2;
	v45 =	vadd.f32 v46, v45  }
0x217: {  	v24 =	vadd.f32 v40, v24;
	v40 =	vperm.xlane v43, v2;
	v41 =	vadd.f32 $9.999999740e-06, v41  }
0x218: {  	v46 =	vperm.xlane v39, v3;
	v42 =	vadd.f32 v47, v42;
	v47 =	vperm.xlane v44, v3  }
0x219: {  	v40 =	vadd.f32 v40, v43;
	v43 =	vshrl.u32 v41, $0x1;
	v41 =	vmul.f32 $5.000000000e-01, v41  }
0x21a: {  	v39 =	vadd.f32 v46, v39;
	v46 =	vperm.xlane v45, v3;
	v43 =	vsub.s32 $0x5F3759DF, v43  }
0x21b: {  	v48 =	vperm.xlane v24, v3;
	v44 =	vadd.f32 v47, v44;
	v41 =	vmul.f32 v43, v41  }
0x21c: {  	v47 =	vperm.xlane v42, v3;
	v45 =	vadd.f32 v46, v45;
	v46 =	vperm.xlane v40, v3  }
0x21d: {  	v48 =	vadd.f32 v48, v24;
	v24 =	vperm.xlane v39, v4;
	v41 =	vmul.f32 v43, v41  }
0x21e: {  	v42 =	vadd.f32 v47, v42;
	v47 =	vperm.xlane v44, v4;
	v40 =	vadd.f32 v46, v40  }
0x21f: {  	v39 =	vadd.f32 v24, v39;
	v24 =	vperm.xlane v45, v4;
	v41 =	vsub.f32 $1.500000000e+00, v41  }
0x220: {  	v46 =	vperm.xlane v48, v4;
	v44 =	vadd.f32 v47, v44;
	v47 =	vperm.xlane v42, v4  }
0x221: {  	v36 =	vsub.f32 v36, v37;
	v45 =	vadd.f32 v24, v45;
	v24 =	vmul.f32 v43, v41  }
0x222: {  	v39 =	vmul.f32 $1.562500000e-02, v39;
	v41 =	vadd.f32 v46, v48;
	v43 =	vperm.xlane v40, v4  }
0x223: {  	v42 =	vadd.f32 v47, v42;
	v44 =	vmul.f32 $1.562500000e-02, v44;
	v36 =	vmul.f32 v24, v36  }
0x224: {  	v41 =	vmul.f32 $1.562500000e-02, v41;
	v40 =	vadd.f32 v43, v40;
	v43 =	vmul.f32 $1.562500000e-02, v45  }
0x225: {  	v38 =	vsub.f32 v38, v39;
	v45 =	vmul.f32 v39, v39;
	v36 =	vmul.f32 v36, v8  }
0x226: {  	v32 =	vsub.f32 v32, v39;
	v42 =	vmul.f32 $1.562500000e-02, v42;
	v46 =	vmul.f32 v44, v44  }
0x227: {  	v40 =	vmul.f32 $1.562500000e-02, v40;
	v47 =	vmul.f32 v43, v43;
	v36 =	vadd.f32 v36, v12  }
0x228: {  	v42 =	vsub.f32 v42, v46;
	v41 =	vsub.f32 v41, v45  }
0x229: {  	v28 =	vsub.f32 v28, v39;
	v40 =	vsub.f32 v40, v47;
	[tilespmem:s30+$0x70] =	vst v36  }
0x22a: {  	v36 =	vadd.f32 $9.999999740e-06, v41;
	v41 =	vadd.f32 $9.999999740e-06, v42  }
0x22b: {  	v29 =	vsub.f32 v29, v39;
	v39 =	vadd.f32 $9.999999740e-06, v40  }
0x22c: {  	v40 =	vshrl.u32 v36, $0x1;
	v36 =	vmul.f32 $5.000000000e-01, v36;
	v42 =	vshrl.u32 v41, $0x1  }
0x22d: {  	v45 =	vshrl.u32 v39, $0x1;
	v39 =	vmul.f32 $5.000000000e-01, v39;
	v41 =	vmul.f32 $5.000000000e-01, v41  }
0x22e: {  	v45 =	vsub.s32 $0x5F3759DF, v45;
	v40 =	vsub.s32 $0x5F3759DF, v40;
	v42 =	vsub.s32 $0x5F3759DF, v42  }
0x22f: {  	v25 =	vsub.f32 v25, v44;
	v36 =	vmul.f32 v40, v36;
	v41 =	vmul.f32 v42, v41  }
0x230: {  	v26 =	vsub.f32 v26, v44;
	v27 =	vsub.f32 v27, v44;
	v39 =	vmul.f32 v45, v39  }
0x231: {  	v44 =	vsub.f32 v30, v44;
	v36 =	vmul.f32 v40, v36;
	v41 =	vmul.f32 v42, v41  }
0x232: {  	v34 =	vsub.f32 v34, v43;
	v30 =	vmul.f32 v45, v39;
	v39 =	vsub.f32 v31, v43  }
0x233: {  	v31 =	vsub.f32 $1.500000000e+00, v36;
	v36 =	vsub.f32 $1.500000000e+00, v41  }
0x234: {  	v30 =	vsub.f32 $1.500000000e+00, v30;
	v41 =	vsub.f32 v33, v43  }
0x235: {  	v35 =	vsub.f32 v35, v43;
	v31 =	vmul.f32 v40, v31;
	v36 =	vmul.f32 v42, v36  }
0x236: {  	v15 =	vsub.f32 v15, v37;
	v40 =	vmul.f32 v45, v30;
	v42 =	vsub.f32 v16, v37  }
0x237: {  	v16 =	vsub.f32 v17, v37;
	v33 =	vmul.f32 v31, v38;
	v32 =	vmul.f32 v31, v32  }
0x238: {  	v17 =	vmul.f32 v31, v28;
	v30 =	vmul.f32 v31, v29;
	v28 =	vadd.f32 v23, v12  }
.Ltmp3:
0x239: {  	v31 =	vmul.f32 v36, v25;
	v23 =	vmul.f32 v36, v26;
	v25 =	vadd.f32 v21, v9;
	(pc) =	sbr.rel @p0 .LBB2_9-.Ltmp3, $4  }
0x23a: {  	v29 =	vmul.f32 v36, v27;
	v21 =	vmul.f32 v36, v44;
	v26 =	vadd.f32 v22, v10;
	[tilespmem:s26+$0xFFFFFFF0] =	vst v28  }
0x23b: {  	v22 =	vmul.f32 v40, v34;
	v34 =	vadd.f32 v19, v11;
	v28 =	vmul.f32 v40, v39;
	[tilespmem:s26+$0x0] =	vst v25  }
0x23c: {  	v20 =	vadd.f32 v20, v12;
	v19 =	vmul.f32 v40, v41;
	v25 =	vmul.f32 v40, v35;
	[tilespmem:s26+$0x10] =	vst v26  }
0x23d: {  	v18 =	vadd.f32 v18, v9;
	s30 =	sadd.s32 $0x100, s30;
	v27 =	vmul.f32 v24, v15;
	v26 =	vmul.f32 v24, v42;
	[tilespmem:s26+$0x20] =	vst v34  }
0x23e: {  	v15 =	vmul.f32 v33, v5;
	[tilespmem:s26+$0x30] =	vst v20;
	v14 =	vadd.f32 v14, v10  }
0x23f: {  	v56 =	vmul.f32 v32, v6;
	v13 =	vadd.f32 v13, v11;
	[tilespmem:s26+$0x40] =	vst v18  }
0x240: {  	v17 =	vmul.f32 v17, v7;
	v15 =	vadd.f32 v15, v9;
	[tilespmem:s26+$0x50] =	vst v14  }
0x241: {  	v14 =	vmul.f32 v30, v8;
	v57 =	vadd.f32 v56, v10;
	[tilespmem:s26+$0x60] =	vst v13  }
0x242: {  	v13 =	vmul.f32 v31, v5;
	[tilespmem:s28+$0xFFFFFF80] =	vst v15;
	v15 =	vadd.f32 v17, v11  }
0x243: {  	v58 =	vmul.f32 v23, v6;
	[tilespmem:s28+$0xFFFFFF90] =	vst v57;
	v14 =	vadd.f32 v14, v12  }
0x244: {  	v59 =	vmul.f32 v29, v7;
	v13 =	vadd.f32 v13, v9;
	[tilespmem:s28+$0xFFFFFFA0] =	vst v15  }
0x245: {  	v15 =	vmul.f32 v21, v8;
	[tilespmem:s28+$0xFFFFFFB0] =	vst v14;
	v14 =	vadd.f32 v58, v10  }
0x246: {  	v60 =	vmul.f32 v28, v5;
	[tilespmem:s28+$0xFFFFFFC0] =	vst v13;
	v13 =	vadd.f32 v59, v11  }
0x247: {  	v61 =	vmul.f32 v22, v6;
	[tilespmem:s28+$0xFFFFFFD0] =	vst v14;
	v14 =	vadd.f32 v15, v12  }
0x248: {  	v15 =	vmul.f32 v19, v7;
	[tilespmem:s28+$0xFFFFFFE0] =	vst v13;
	v13 =	vadd.f32 v60, v9  }
0x249: {  	v62 =	vmul.f32 v25, v8;
	[tilespmem:s28+$0xFFFFFFF0] =	vst v14;
	v14 =	vadd.f32 v61, v10  }
0x24a: {  	v16 =	vmul.f32 v24, v16;
	v63 =	vmul.f32 v27, v5;
	[tilespmem:s28+$0x0] =	vst v13;
	v13 =	vadd.f32 v15, v11  }
0x24b: {  	v15 =	vmul.f32 v26, v6;
	[tilespmem:s28+$0x10] =	vst v14;
	v14 =	vadd.f32 v62, v12  }
0x24c: {  	v16 =	vmul.f32 v16, v7;
	[tilespmem:s28+$0x20] =	vst v13;
	v13 =	vadd.f32 v63, v9  }
0x24d: {  	[tilespmem:s28+$0x30] =	vst v14;
	v14 =	vadd.f32 v15, v10  }
0x24e: {  	s25 =	sshll.u32 s25, $0x3;
	[tilespmem:s28+$0x40] =	vst v13;
	v13 =	vadd.f32 v16, v11  }
0x24f: {  	s25 =	sand.u32 $0x1FFFF000, s25;
	[tilespmem:s28+$0x50] =	vst v14  }
0x250: {  	s25 =	sadd.s32 s4, s25;
	[tilespmem:s28+$0x60] =	vst v13  }
0x251: {  	[hbm4b:s25+s8] =	stream.linear.scatter [tilespmem:s18], [sflag:$0x3], $0x8000, $0x38;
	[tilespmem:$0x10680] =	vst v63  }
0x252: {  	s23 =	sadd.s32 $0x1, s23;
	_ =	swait.ge [sflag:s14], $0x8000  }
0x253: {  	p0 =	sne.s32 s23, $0x19;
	[sflag:s14] =	ssyncset.done $0x0  }
.Ltmp4:
0x254: {  	s24 =	sadd.s32 s6, s24;
	[sflag:s14] =	ssyncadd.s32 $0xFFFF8000;
	(pc) =	sbr.rel @p0 .LBB2_2-.Ltmp4, $4  }
0x255: {  	[hbm4b:s24+s8] =	stream.linear.scatter [tilespmem:s20], [sflag:$0x3], $0x200, $0x38;
	[tilespmem:$0x10680] =	vst v63  }
0x256: {  	_ =	swait.ge [sflag:s14], $0x200  }
0x257: {  	[sflag:s14] =	ssyncset.done $0x0  }
0x258: {  	[sflag:s14] =	ssyncadd.s32 $0xFFFFFE00  }
0x259: {  	s22 =	sadd.s32 $0x1, s22  }
0x25a: {  	p0 =	sne.s32 s22, s12  }
.Ltmp5:
0x25b: {  	_ = 	snop;
	(pc) =	sbr.rel @p0 .LBB2_1-.Ltmp5, $1  }
0x25c: {  	_ =	sdelay $0x3  }
0x25d: {  	_ =	sfence.sel $0x180000  }
0x25e: {  	[bflag:$0x0] =	sbarrier.arrive $0xFFFF  }
0x25f: {  	p0 =	sne.s32 s1, $0x0;
	_ =	strace $0x90000047  }
0x260: {  	s0 =	sadd.s32 @!p0 $0x100000, s5;
	[bflag:$0x2] =	sbarrier.arrive $0xFFFF  }
0x261: {  	[sflag:s0] =	ssyncadd.tile.s32 @!p0 $0x1;
	_ =	shalt  }
.Lfunc_end2:
_tile_overlayer_lowered:
.L_overlay_start_2:
0x262: {  	(tag) =	ssettag $0x2  }
0x263: {  	s0 =	rddreg [dreg:$0x0];
	s2 =	stileid.u32  }
0x264: {  	s1 =	rddreg [dreg:$0x1];
	p0 =	sne.s32 s2, $0x0  }
0x265: {  	s3 =	rddreg [dreg:$0x2];
	[bflag:$0x3] =	sbarrier.arrive $0xFFFF;
	s2 =	simm.s32 @!p0 $0x1C03  }
0x266: {  	[timem:s3], [sflag:s2] =	dma.local @!p0 [hbm:s0], s1  }
0x267: {  	s0 =	simm.s32 @!p0 $0x3  }
0x268: {  	_ =	swait.ge @!p0 [sflag:s0], s1  }
0x269: {  	s1 =	ssub.s32 @!p0 $0x0, s1;
	[sflag:s0] =	ssyncset.done @!p0 $0x0  }
0x26a: {  	[sflag:s0] =	ssyncadd.s32 @!p0 s1  }
0x26b: {  	[bflag:$0x3] =	sbarrier.arrive $0xFFFF  }
0x26c: {  	_ =	shalt  }

// kernel: sparse-core-data-format-call.cloned.1.call-start
scs
called_computation_lowered:
.L_overlay_start_0:
0x0: {  	s2 =	sld [smem:$0x3FD9]  }
0x1: {  	s3 =	sld [smem:$0x3FFE];
	_ =	sdelay $0x1  }
0x2: {  	s1 =	srdreg.scid  }
0x3: {  	s0 =	sand.u32 $0x1, s1  }
0x4: {  	s15 =	sshll.u32 s0, $0xA;
	s2 =	sadd.s32 s3, s2  }
0x5: {  	s2 =	sadd.s32 s2, s15  }
0x6: {  	[smem:$0x3FC4] =	sst s2  }
0x7: {  	_ = 	snop  }
0x8: {  	s2 =	sld [smem:$0x3FD0];
	_ =	sdelay $0x2  }
0x9: {  	s16 =	simm.s32 $0xA;
	s4 =	simm.s32 $0x10  }
0xa: {  	[smem:s4], [sflag:s16] =	dma.local [hbm:s2], $0x1  }
0xb: {  	_ =	swait.eq [sflag:s16], $0x1  }
0xc: {  	[sflag:s16] =	ssyncset.done $0x0  }
0xd: {  	[sflag:s16] =	ssyncadd.s32 $0xFFFFFFFF  }
0xe: {  	s17 =	sld [smem:$0x10];
	(tm) =	ssettm $0x1  }
0xf: {  	s18 =	sld [smem:$0x3FFB];
	_ =	sdelay $0x3  }
0x10: {  	_ =	strace s18  }
0x11: {  	s3 =	sld [smem:$0x3FFC];
	_ =	sdelay $0x3  }
0x12: {  	_ =	strace s3  }
0x13: {  	s3 =	sld [smem:$0x3FFD];
	_ =	sdelay $0x3  }
0x14: {  	_ =	strace s3  }
0x15: {  	_ =	strace $0x8FFFFFFF  }
0x16: {  	s19 =	sld [smem:$0x3FDB];
	_ =	sdelay $0x1  }
0x17: {  	s20 =	simm.s32 $_scs_section_size  }
0x18: {  	s5 =	simm.s32 $_size__tile_overlayer_lowered;
	s6 =	simm.s32 $_tile_overlayer_lowered  }
0x19: {  	s23 =	simm.s32 $0x1BFF;
	s22 =	sshll.u32 s6, $0x1;
	s3 =	sadd.s32 s20, s19  }
0x1a: {  	s7 =	simm.s32 $0x0;
	s21 =	sshll.u32 s5, $0x1;
	s5 =	sadd.s32 s22, s3  }
0x1b: {  	[timem:s7], [sflag:s23] =	dma.local [hbm:s5], s21  }
0x1c: {  	_ =	swait.ge [sflag:s23], s21  }
0x1d: {  	s4 =	ssub.s32 $0x0, s21;
	[sflag:s23] =	ssyncset.done $0x0  }
0x1e: {  	[sflag:s23] =	ssyncadd.s32 s4;
	_ =	sdelay $0x1  }
0x1f: {  	s24 =	simm.s32 $0x1B8B  }
0x20: {  	_ =	swait.ge [sflag:s24], $0x1  }
0x21: {  	[sflag:s24] =	ssyncset.done $0x0  }
0x22: {  	s26 =	simm.s32 $0x1B8E;
	s25 =	sld [smem:$0x3FFE];
	[sflag:s24] =	ssyncadd.s32 $0xFFFFFFFF  }
0x23: {  	s27 =	simm.s32 $execute0_lowered;
	[smem:$0x3FD2] =	sst s26  }
0x24: {  	s5 =	sshll.u32 s27, $0x1;
	_ =	strace $0x80000049;
	[dreg:$0x1] =	wrdreg $0xFFFFFFFF  }
0x25: {  	s28 =	simm.s32 $_size_execute0_lowered;
	s3 =	sadd.s32 s3, s5;
	[dreg:$0x0] =	wrdreg $0x0  }
0x26: {  	s5 =	sshll.u32 s28, $0x1;
	[dreg:$0x2] =	wrdreg s3  }
0x27: {  	[dreg:$0x3] =	wrdreg s5  }
0x28: {  	[dreg:$0x4] =	wrdreg $0xC0  }
0x29: {  	_ =	task [dreg:s7], $0x5FFFF  }
0x2a: {  	[dreg:$0x1] =	wrdreg $0xFFFFFFFF  }
0x2b: {  	[dreg:$0x0] =	wrdreg $0x60  }
0x2c: {  	[dreg:$0x2] =	wrdreg s25  }
0x2d: {  	[dreg:$0x3] =	wrdreg s17  }
0x2e: {  	[dreg:$0x4] =	wrdreg $0x9  }
0x2f: {  	_ =	task.clear_ibuf [dreg:s7], $0x5FFFF;
	_ =	strace $0x90000049  }
0x30: {  	s29 =	simm.s32 $0x9;
	_ =	strace $0x8000004B  }
0x31: {  	_ =	swait.ge [sflag:s29], $0x1  }
0x32: {  	[sflag:s29] =	ssyncadd.s32 $0xFFFFFFFF  }
0x33: {  	_ =	strace $0x9000004B  }
0x34: {  	_ =	sfence  }
0x35: {  	s30 =	sld [smem:$0x0];
	_ =	sdelay $0x2  }
0x36: {  	s31 =	sshll.u32 s1, $0xD;
	s1 =	sshrl.u32 s1, $0x2  }
0x37: {  	s3 =	sand.u32 $0x4000, s31;
	s1 =	sadd.s32 s1, s30  }
0x38: {  	s0 =	sor.u32 s3, s0;
	s1 =	sshll.u32 s1, $0x11  }
0x39: {  	s0 =	sor.u32 s1, s0  }
0x3a: {  	s0 =	sadd.s32 $0x8F2B, s0  }
0x3b: {  	[sflag:s0] =	ssyncadd.remote.s32 $0x1  }
0x3c: {  	_ =	sfence.sel $0xFFFF  }
0x3d: {  	[dreg:$0x0] =	wrdreg $0xFFFFFFFF;
	(pc) =	sbr.abs _section_cstart, $3  }
0x3e: {  	[dreg:$0x1] =	wrdreg $0xFFFFFFFF  }
0x3f: {  	_ =	task.clear_ibuf [dreg:s7], $0x2FFFF;
	_ =	strace $0x9FFFFFFF  }
0x40: {  	(tm) =	ssettm $0x7FFFFFFF  }
0x41: {  	_ =	shalt  }
tec
execute0_lowered:
.L_overlay_start_1:
0x0: {  	(tag) =	ssettag $0x1  }
0x1: {  	s0 =	srdreg.scid  }
0x2: {  	s1 =	sshll.u32 s0, $0x4  }
0x3: {  	s4 =	rddreg [dreg:$0x0];
	s0 =	stileid.u32;
	s1 =	sand.u32 $0x10, s1  }
0x4: {  	s2 =	rddreg [dreg:$0x1];
	s7 =	simm.s32 $0x1;
	s1 =	sor.u32 s0, s1  }
0x5: {  	s8 =	simm.s32 $0x2;
	s11 =	simm.s32 $0x0;
	s3 =	sshll.u32 s1, $0x7  }
0x6: {  	s10 =	simm.s32 $0x0;
	s4 =	sadd.s32 $0xC00, s4;
	s6 =	ssub.s32 $0xC8000, s3  }
.Ltmp0:
0x7: {  	s1 =	rddreg [dreg:$0x2];
	s5 =	sand.u32 $0xF80, s6;
	(pc) =	sbr.rel .LBB1_1-.Ltmp0, $4  }
0x8: {  	_ =	strace $0x8000004A;
	s9 =	smov.u32 s3;
	p0 =	sne.s32 s5, $0x0  }
0x9: {  	s6 =	sshrl.u32 s6, $0xC;
	s5 =	simm.s32 $0x1;
	s7 =	simm.s32 @!p0 $0x0  }
0xa: {  	[sflag:s5] =	ssyncpa.u1 $0x0;
	p0 =	por $0x0, $0x0;
	s6 =	sadd.s32 s7, s6  }
0xb: {  	[sflag:s8] =	ssyncpa.u1 $0x0;
	s8 =	simm.s32 $0x640000;
	s7 =	sadd.s32 $0x1, s6  }
.LBB1_4:
0xc: {  	s14 =	sshll.u32 s11, $0x3  }
0xd: {  	s30 =	sand.u32 $0x7F, s11;
	s15 =	sand.u32 $0xFFFFFC00, s14  }
0xe: {  	s11 =	sor.u32 s30, s15  }
0xf: {  	s15 =	smulhi.u32 $0x51EB851F, s11  }
0x10: {  	s14 =	smulhi.u32 $0x51EB851F, s14  }
0x11: {  	s15 =	sshrl.u32 s15, $0x12  }
0x12: {  	s14 =	sshrl.u32 s14, $0x12;
	s15 =	smul.u32 $0xC8000, s15  }
0x13: {  	s14 =	sand.u32 $0x3F, s14  }
0x14: {  	s14 =	smul.u32 $0x19000, s14;
	s11 =	ssub.s32 s11, s15  }
0x15: {  	[tilespmem:s13+$0x810 ss:$0x81] =	vst.msk $0xffff, v2;
	s15 =	sand.u32 $0x7, s11  }
0x16: {  	[tilespmem:s13+$0x1020 ss:$0x81] =	vst.msk $0xffff, v0;
	s14 =	sadd.s32 s2, s14;
	s11 =	sshrl.u32 s11, $0x3;
	s15 =	sshll.u32 s15, $0x12  }
0x17: {  	[tilespmem:s13+$0x0 ss:$0x81] =	vst.msk $0xffff, v1;
	s11 =	sadd.s32 s11, s14;
	s31 =	sor.u32 $0x400, s15  }
0x18: {  	[hbm4b:s11+s31] =	stream.strided.scatter [tilespmem:s12], [sflag:$0x2], $0x2000, s8, s31, $0x20;
	[tilespmem:$0x8080] =	vst v63  }
.LBB1_5:
0x19: {  	s13 =	sadd.s32 $0x1000, s9  }
0x1a: {  	p2 =	sgt.s32 s13, $0xC7FFF  }
0x1b: {  	s13 =	smov.u32 @p2 s3;
	p2 =	sne.s32 s10, s7  }
.Ltmp1:
0x1c: {  	p1 =	slt.u32 s10, $0x2;
	(pc) =	sbr.rel @!p2 .LBB1_6-.Ltmp1, $4  }
0x1d: {  	s12 =	simm.s32 @!p1 $0x2  }
0x1e: {  	s14 =	sadd.s32 $0x1, s10;
	_ =	swait.ge @!p1 [sflag:s12], $0x2000  }
0x1f: {  	s11 =	smov.u32 s9;
	p0 =	por !p0, !p0;
	[sflag:s12] =	ssyncset.done @!p1 $0x0  }
0x20: {  	s10 =	smov.u32 s14;
	s9 =	smov.u32 s13;
	[sflag:s12] =	ssyncadd.s32 @!p1 $0xFFFFE000  }
.LBB1_1:
0x21: {  	p1 =	sge.u32 s10, s6  }
0x22: {  	s12 =	sand.u32 @!p1 $0x1FFFFFF, s9  }
0x23: {  	s13 =	smulhi.u32 @!p1 $0x147AE15, s12;
	_ =	sdelay $0x1  }
0x24: {  	s13 =	sshrl.u32 @!p1 s13, $0xC  }
0x25: {  	s13 =	smul.u32 @!p1 $0xC8000, s13;
	_ =	sdelay $0x1  }
0x26: {  	s31 =	sadd.s32 $0xFFFFFFFF, s10;
	s14 =	sxor.u32 @!p1 $0xFFFFFFFF, s10;
	s12 =	ssub.s32 @!p1 s12, s13  }
0x27: {  	s15 =	simm.s32 @!p1 $0x80;
	s14 =	sshll.u32 @!p1 s14, $0xD;
	s12 =	sshll.u32 @!p1 s12, $0x4  }
0x28: {  	s13 =	sand.u32 @!p1 $0x2000, s14;
	s14 =	simm.s32 @!p1 $0x40;
	s12 =	sadd.s32 @!p1 s4, s12  }
0x29: {  	[tilespmem:s13], [sflag:$0x1] =	stream.strided.gather @!p1 [hbm4b:s12+s14], $0x2000, s15, s14, $0x38;
	[tilespmem:$0x8080] =	vst v63  }
0x2a: {  	p1 =	sge.u32 s31, s6  }
.Ltmp2:
0x2b: {  	_ = 	snop;
	(pc) =	sbr.rel @p1 .LBB1_5-.Ltmp2, $1  }
0x2c: {  	_ =	sdelay $0x3  }
0x2d: {  	s12 =	simm.s32 $0x1  }
0x2e: {  	_ =	swait.ge [sflag:s5], $0x2000;
	s12 =	simm.s32 @!p0 $0x0  }
0x2f: {  	[sflag:s5] =	ssyncset.done $0x0;
	s13 =	sshll.u32 s12, $0xD  }
0x30: {  	[sflag:s5] =	ssyncadd.s32 $0xFFFFE000;
	s16 =	sor.u32 $0x20, s13  }
0x31: {  	s12 =	smul.u32 $0x8100, s12;
	v3 =	vld [tilespmem:s16+$0x10]  }
0x32: {  	s30 =	sand.u32 $0x1, s10;
	v2 =	vld [tilespmem:s16+$0xFFFFFFF0]  }
0x33: {  	s13 =	smul.u32 $0x8100, s30;
	s12 =	sshrl.u32 s12, $0x2;
	v0 =	vld [tilespmem:s16+$0x0]  }
0x34: {  	v1 =	vld [tilespmem:s16+$0xFFFFFFE0];
	s14 =	sor.u32 $0x4000, s12  }
0x35: {  	s31 =	sshrl.u32 s13, $0x2;
	s13 =	sadd.s32 $0x0, s14  }
0x36: {  	s15 =	simm.s32 $0x4;
	s16 =	sadd.s32 $0x40, s16;
	s12 =	sor.u32 $0x4000, s31;
	[tilespmem:s13+$0x1830 ss:$0x81] =	vst.msk $0xffff, v3  }
.LBB1_3:
0x37: {  	v3 =	vld [tilespmem:s16+$0x10];
	p1 =	sne.s32 s15, $0x1FC;
	[tilespmem:s13+$0x810 ss:$0x81] =	vst.msk $0xffff, v2;
	s17 =	smov.u32 s15;
	s15 =	sadd.s32 $0x4, s15  }
.Ltmp3:
0x38: {  	v2 =	vld [tilespmem:s16+$0xFFFFFFF0];
	[tilespmem:s13+$0x1020 ss:$0x81] =	vst.msk $0xffff, v0;
	(pc) =	sbr.rel @p1 .LBB1_3-.Ltmp3, $4  }
0x39: {  	v0 =	vld [tilespmem:s16+$0x0];
	[tilespmem:s13+$0x0 ss:$0x81] =	vst.msk $0xffff, v1  }
0x3a: {  	s13 =	sshra.s32 s17, $0x2;
	v1 =	vld [tilespmem:s16+$0xFFFFFFE0]  }
0x3b: {  	s13 =	sadd.s32 s13, s14  }
0x3c: {  	s16 =	sadd.s32 $0x40, s16;
	[tilespmem:s13+$0x1830 ss:$0x81] =	vst.msk $0xffff, v3  }
.Ltmp4:
0x3d: {  	_ = 	snop;
	(pc) =	sbr.rel .LBB1_4-.Ltmp4, $1  }
0x3e: {  	_ =	sdelay $0x3  }
.LBB1_6:
0x3f: {  	_ =	sfence.sel $0x180000  }
0x40: {  	s2 =	simm.s32 $0x1;
	[bflag:$0x0] =	sbarrier.arrive $0xFFFF  }
0x41: {  	s31 =	simm.s32 $0x2;
	[sflag:s2] =	ssyncpa.u1 $0x1  }
0x42: {  	[sflag:s31] =	ssyncpa.u1 $0x1  }
0x43: {  	p0 =	sne.s32 s0, $0x0;
	_ =	strace $0x9000004A  }
0x44: {  	s0 =	sadd.s32 @!p0 $0x100000, s1;
	[bflag:$0x2] =	sbarrier.arrive $0xFFFF  }
0x45: {  	[sflag:s0] =	ssyncadd.tile.s32 @!p0 $0x1;
	_ =	shalt  }
.Lfunc_end1:
_tile_overlayer_lowered:
.L_overlay_start_2:
0x46: {  	(tag) =	ssettag $0x2  }
0x47: {  	s0 =	rddreg [dreg:$0x0];
	s2 =	stileid.u32  }
0x48: {  	s1 =	rddreg [dreg:$0x1];
	p0 =	sne.s32 s2, $0x0  }
0x49: {  	s3 =	rddreg [dreg:$0x2];
	[bflag:$0x3] =	sbarrier.arrive $0xFFFF;
	s2 =	simm.s32 @!p0 $0x1C01  }
0x4a: {  	[timem:s3], [sflag:s2] =	dma.local @!p0 [hbm:s0], s1  }
0x4b: {  	s0 =	simm.s32 @!p0 $0x1  }
0x4c: {  	_ =	swait.ge @!p0 [sflag:s0], s1  }
0x4d: {  	s1 =	ssub.s32 @!p0 $0x0, s1;
	[sflag:s0] =	ssyncset.done @!p0 $0x0  }
0x4e: {  	[sflag:s0] =	ssyncadd.s32 @!p0 s1  }
0x4f: {  	[bflag:$0x3] =	sbarrier.arrive $0xFFFF  }
0x50: {  	_ =	shalt  }

</sc_bundles>
